<compile_context>
chip_gen: v7x
topology: tpu7x:2x2x1
jax: 0.10.2.dev20260603
libtpu: 0.0.44.dev20260713+nightly
codegen_flags: <defaults>
</compile_context>

<pallas_src>
import functools

import jax
import jax.numpy as jnp
from jax import lax
from jax.experimental import pallas as pl
from jax.experimental.pallas import tpu as pltpu
from jax.experimental.pallas import tpu_sc as plsc

_S = 33
_LUT_N = _S * _S * _S
_LUT_PAD = _LUT_N + 7
_BB = 256

_NC = 2
_NS = 16
_NW = _NC * _NS
_LANES = 16
_CHUNK = 1200


def _conv_relu_s2(x, w, b):
    y = lax.conv_general_dilated(
        x, w, window_strides=(2, 2), padding=((1, 1), (1, 1)),
        dimension_numbers=('NCHW', 'OIHW', 'NCHW'))
    return jax.nn.relu(y + b[None, :, None, None])


def _lut_weights(image, w1, b1, w2, b2, w3, b3, fc_w, fc_b):
    bsz = image.shape[0]
    if image.shape[-1] != _BB or image.shape[-2] != _BB:
        thumb = jax.image.resize(image, (bsz, 3, _BB, _BB), method='bilinear')
    else:
        thumb = image
    h = _conv_relu_s2(thumb, w1, b1)
    h = _conv_relu_s2(h, w2, b2)
    h = _conv_relu_s2(h, w3, b3)
    pooled = h.mean(axis=(2, 3))
    logits = pooled @ fc_w + fc_b
    return jax.nn.softmax(logits, axis=-1)


def _tec_body(img_hbm, lut_hbm, out_hbm,
              lut_r, lut_g, lut_b, in_r, in_g, in_b, out_r, out_g, out_b,
              *, n_pix):
    cid = lax.axis_index("c")
    sid = lax.axis_index("s")
    wid = sid * _NC + cid

    pltpu.sync_copy(lut_hbm.at[pl.ds(0, _LUT_PAD)], lut_r)
    pltpu.sync_copy(lut_hbm.at[pl.ds(_LUT_PAD, _LUT_PAD)], lut_g)
    pltpu.sync_copy(lut_hbm.at[pl.ds(2 * _LUT_PAD, _LUT_PAD)], lut_b)

    per_worker = n_pix // _NW
    n_chunks = per_worker // _CHUNK
    base0 = wid * per_worker

    @pl.loop(0, n_chunks)
    def _chunk(k):
        base = base0 + k * _CHUNK
        pltpu.sync_copy(img_hbm.at[pl.ds(base, _CHUNK)], in_r)
        pltpu.sync_copy(img_hbm.at[pl.ds(n_pix + base, _CHUNK)], in_g)
        pltpu.sync_copy(img_hbm.at[pl.ds(2 * n_pix + base, _CHUNK)], in_b)

        @pl.loop(0, _CHUNK // _LANES)
        def _pix(i):
            o = i * _LANES
            r = in_r[pl.ds(o, _LANES)]
            g = in_g[pl.ds(o, _LANES)]
            b = in_b[pl.ds(o, _LANES)]
            smax = jnp.float32(_S - 1)
            x = jnp.minimum(jnp.maximum(r * smax, 0.0), smax)
            y = jnp.minimum(jnp.maximum(g * smax, 0.0), smax)
            z = jnp.minimum(jnp.maximum(b * smax, 0.0), smax)
            x0 = x.astype(jnp.int32)
            y0 = y.astype(jnp.int32)
            z0 = z.astype(jnp.int32)
            fx = x - x0.astype(jnp.float32)
            fy = y - y0.astype(jnp.float32)
            fz = z - z0.astype(jnp.float32)
            one = jnp.int32(1)
            zero = jnp.int32(0)
            dx = jnp.where(x0 < _S - 1, one, zero)
            dy = jnp.where(y0 < _S - 1, jnp.int32(_S), zero)
            dz = jnp.where(z0 < _S - 1, jnp.int32(_S * _S), zero)
            i000 = (z0 * _S + y0) * _S + x0
            i001 = i000 + dx
            i010 = i000 + dy
            i011 = i010 + dx
            i100 = i000 + dz
            i101 = i100 + dx
            i110 = i100 + dy
            i111 = i110 + dx

            def tri(lut):
                c000 = plsc.load_gather(lut, [i000])
                c001 = plsc.load_gather(lut, [i001])
                c010 = plsc.load_gather(lut, [i010])
                c011 = plsc.load_gather(lut, [i011])
                c100 = plsc.load_gather(lut, [i100])
                c101 = plsc.load_gather(lut, [i101])
                c110 = plsc.load_gather(lut, [i110])
                c111 = plsc.load_gather(lut, [i111])
                c00 = c000 + fx * (c001 - c000)
                c01 = c010 + fx * (c011 - c010)
                c10 = c100 + fx * (c101 - c100)
                c11 = c110 + fx * (c111 - c110)
                c0 = c00 + fy * (c01 - c00)
                c1 = c10 + fy * (c11 - c10)
                c = c0 + fz * (c1 - c0)
                return jnp.minimum(jnp.maximum(c, 0.0), 1.0)

            out_r[pl.ds(o, _LANES)] = tri(lut_r)
            out_g[pl.ds(o, _LANES)] = tri(lut_g)
            out_b[pl.ds(o, _LANES)] = tri(lut_b)

        pltpu.sync_copy(out_r, out_hbm.at[pl.ds(base, _CHUNK)])
        pltpu.sync_copy(out_g, out_hbm.at[pl.ds(n_pix + base, _CHUNK)])
        pltpu.sync_copy(out_b, out_hbm.at[pl.ds(2 * n_pix + base, _CHUNK)])


@functools.partial(jax.jit, static_argnames=("n_pix",))
def _apply_lut_sc(img_flat, lut_t, *, n_pix):
    mesh = plsc.VectorSubcoreMesh(core_axis_name="c", subcore_axis_name="s")
    f = pl.kernel(
        functools.partial(_tec_body, n_pix=n_pix),
        out_type=jax.ShapeDtypeStruct((3 * n_pix,), jnp.float32),
        mesh=mesh,
        compiler_params=pltpu.CompilerParams(needs_layout_passes=False),
        scratch_types=[
            pltpu.VMEM((_LUT_PAD,), jnp.float32),
            pltpu.VMEM((_LUT_PAD,), jnp.float32),
            pltpu.VMEM((_LUT_PAD,), jnp.float32),
            pltpu.VMEM((_CHUNK,), jnp.float32),
            pltpu.VMEM((_CHUNK,), jnp.float32),
            pltpu.VMEM((_CHUNK,), jnp.float32),
            pltpu.VMEM((_CHUNK,), jnp.float32),
            pltpu.VMEM((_CHUNK,), jnp.float32),
            pltpu.VMEM((_CHUNK,), jnp.float32),
        ],
    )
    return f(img_flat, lut_t)


def kernel(image, basis_luts, w1, b1, w2, b2, w3, b3, fc_w, fc_b):
    bsz, c, h, w = image.shape
    n_pix = h * w
    weights = _lut_weights(image, w1, b1, w2, b2, w3, b3, fc_w, fc_b)
    blended = jnp.einsum('bn,npc->bpc', weights, basis_luts)
    outs = []
    for i in range(bsz):
        lut_t = jnp.pad(blended[i].T, ((0, 0), (0, _LUT_PAD - _LUT_N))).reshape(-1)
        img_flat = image[i].reshape(3 * n_pix)
        out = _apply_lut_sc(img_flat, lut_t, n_pix=n_pix)
        outs.append(out.reshape(1, 3, h, w))
    return jnp.concatenate(outs, axis=0)

# --- scband reference (transcript-rebuilt; emitter-appended) ---
"""Pipeline reference for scband-image-adaptive3-dlut-6322191860245 (READ-ONLY COPY).

The authoritative reference and input builder live on the scoring server;
editing this copy changes nothing except your own understanding.
"""

import jax, jax.numpy as jnp
import numpy as np

N_BASIS = 3
LUT_SIZE = 33
BB_SIZE = 256

def _identity_lut(S):
    coords = jnp.linspace(0.0, 1.0, S)
    r, g, b = jnp.meshgrid(coords, coords, coords, indexing='ij')
    return jnp.stack([r.ravel(), g.ravel(), b.ravel()], axis=-1)

def setup_inputs():
    key = jax.random.PRNGKey(0)
    ks = jax.random.split(key, 8)
    image = jax.random.uniform(ks[0], (1, 3, 2160, 3840), dtype=jnp.float32)
    basis_luts = jnp.tile(_identity_lut(LUT_SIZE)[None], (N_BASIS, 1, 1)).astype(jnp.float32)
    w1 = jax.random.normal(ks[1], (16, 3, 3, 3), dtype=jnp.float32) * 0.1
    b1 = jnp.zeros((16,), jnp.float32)
    w2 = jax.random.normal(ks[2], (32, 16, 3, 3), dtype=jnp.float32) * 0.05
    b2 = jnp.zeros((32,), jnp.float32)
    w3 = jax.random.normal(ks[3], (64, 32, 3, 3), dtype=jnp.float32) * 0.05
    b3 = jnp.zeros((64,), jnp.float32)
    fc_w = jax.random.normal(ks[4], (64, N_BASIS), dtype=jnp.float32) * 0.1
    fc_b = jnp.zeros((N_BASIS,), jnp.float32)
    return {"image": image, "basis_luts": basis_luts, "w1": w1, "b1": b1, "w2": w2, "b2": b2, "w3": w3, "b3": b3, "fc_w": fc_w, "fc_b": fc_b}

def _conv_relu(x, w, b):
    y = jax.lax.conv_general_dilated(x, w, window_strides=(2, 2), padding=((1, 1), (1, 1)), dimension_numbers=('NCHW', 'OIHW', 'NCHW'))
    return jax.nn.relu(y + b[None, :, None, None])

def _backbone(x, w1, b1, w2, b2, w3, b3, fc_w, fc_b):
    h = _conv_relu(x, w1, b1)
    h = _conv_relu(h, w2, b2)
    h = _conv_relu(h, w3, b3)
    pooled = h.mean(axis=(2, 3))
    logits = pooled @ fc_w + fc_b
    return jax.nn.softmax(logits, axis=-1)

def _apply_lut_to_image(image, lut_flat, S):
    b, c, h, w = image.shape
    lut = lut_flat.reshape(S, S, S, 3).transpose(3, 0, 1, 2)
    pix = image[0].transpose(1, 2, 0).reshape(-1, 3)
    grid = pix * 2.0 - 1.0
    coord = (grid + 1.0) * 0.5 * (S - 1)
    coord = jnp.clip(coord, 0.0, S - 1)
    x, y, z = coord[:, 0], coord[:, 1], coord[:, 2]
    x0f, y0f, z0f = jnp.floor(x), jnp.floor(y), jnp.floor(z)
    wx, wy, wz = x - x0f, y - y0f, z - z0f
    x0 = jnp.clip(x0f.astype(jnp.int32), 0, S - 1)
    y0 = jnp.clip(y0f.astype(jnp.int32), 0, S - 1)
    z0 = jnp.clip(z0f.astype(jnp.int32), 0, S - 1)
    x1 = jnp.clip(x0 + 1, 0, S - 1)
    y1 = jnp.clip(y0 + 1, 0, S - 1)
    z1 = jnp.clip(z0 + 1, 0, S - 1)
    def g(zi, yi, xi):
        return lut[:, zi, yi, xi]
    out = (g(z0, y0, x0) * ((1 - wz) * (1 - wy) * (1 - wx))[None]
         + g(z0, y0, x1) * ((1 - wz) * (1 - wy) * wx)[None]
         + g(z0, y1, x0) * ((1 - wz) * wy * (1 - wx))[None]
         + g(z0, y1, x1) * ((1 - wz) * wy * wx)[None]
         + g(z1, y0, x0) * (wz * (1 - wy) * (1 - wx))[None]
         + g(z1, y0, x1) * (wz * (1 - wy) * wx)[None]
         + g(z1, y1, x0) * (wz * wy * (1 - wx))[None]
         + g(z1, y1, x1) * (wz * wy * wx)[None])
    out = out.reshape(3, h, w)[None]
    return jnp.clip(out, 0.0, 1.0)

def reference(image, basis_luts, w1, b1, w2, b2, w3, b3, fc_w, fc_b):
    bsz = image.shape[0]
    if image.shape[-1] != BB_SIZE or image.shape[-2] != BB_SIZE:
        thumb = jax.image.resize(image, (bsz, 3, BB_SIZE, BB_SIZE), method='bilinear')
    else:
        thumb = image
    weights = _backbone(thumb, w1, b1, w2, b2, w3, b3, fc_w, fc_b)
    blended = jnp.einsum('bn,npc->bpc', weights, basis_luts)
    outs = [_apply_lut_to_image(image[i:i + 1], blended[i], LUT_SIZE) for i in range(bsz)]
    return jnp.concatenate(outs, axis=0)

if __name__ == "__main__":
    import jax
    _d = setup_inputs()
    print(jax.jit(kernel)(*tuple(_d.values())))

</pallas_src>

<mosaic_0001>
#map = affine_map<(d0, d1) -> (0)>
module attributes {stable_mosaic.version = 14 : i64} {
  func.func @_tec_body(%arg0: i32, %arg1: i32, %arg2: memref<24883200xf32, #tpu.memory_space<hbm>>, %arg3: memref<107832xf32, #tpu.memory_space<hbm>>, %arg4: memref<24883200xf32, #tpu.memory_space<hbm>>, %arg5: memref<35944xf32, #tpu.memory_space<vmem>>, %arg6: memref<35944xf32, #tpu.memory_space<vmem>>, %arg7: memref<35944xf32, #tpu.memory_space<vmem>>, %arg8: memref<1200xf32, #tpu.memory_space<vmem>>, %arg9: memref<1200xf32, #tpu.memory_space<vmem>>, %arg10: memref<1200xf32, #tpu.memory_space<vmem>>, %arg11: memref<1200xf32, #tpu.memory_space<vmem>>, %arg12: memref<1200xf32, #tpu.memory_space<vmem>>, %arg13: memref<1200xf32, #tpu.memory_space<vmem>>) attributes {dimension_semantics = [#tpu.dimension_semantics<core_parallel>, #tpu.dimension_semantics<subcore_parallel>], iteration_bounds = array<i64: 2, 16>, scalar_prefetch = 0 : i64, scratch_operands = 9 : i64, tpu.core_type = #tpu.core_type<sc_vector_subcore>, window_params = [{transform_indices = #map}, {transform_indices = #map}, {transform_indices = #map}]} {
    %mul3A = arith.constant 2 : i32
    %mul3A_0 = arith.muli %arg1, %mul3A : i32
    %add3A = arith.addi %mul3A_0, %arg0 : i32
    "tpu.region"() ({
      %run_scoped3A = tpu.sem_alloc : memref<!tpu.dma_semaphore, #tpu.memory_space<semaphore_mem>>
      %dma_start3A = arith.constant 0 : i32
      %dma_start3A_7 = tpu.memref_slice %arg3[%dma_start3A] : memref<107832xf32, #tpu.memory_space<hbm>> -> memref<35944xf32, #tpu.memory_space<hbm>>
      %dma_start3A_8 = arith.constant 0 : i32
      %dma_start3A_9 = tpu.memref_slice %arg3[%dma_start3A_8] : memref<107832xf32, #tpu.memory_space<hbm>> -> memref<35944xf32, #tpu.memory_space<hbm>>
      tpu.enqueue_dma source(%dma_start3A_9 : memref<35944xf32, #tpu.memory_space<hbm>>) target(%arg5 : memref<35944xf32, #tpu.memory_space<vmem>>) target_semaphore(%run_scoped3A : memref<!tpu.dma_semaphore, #tpu.memory_space<semaphore_mem>>)
      %dma_wait3A = arith.constant 0 : i32
      %dma_wait3A_10 = tpu.memref_slice %arg3[%dma_wait3A] : memref<107832xf32, #tpu.memory_space<hbm>> -> memref<35944xf32, #tpu.memory_space<hbm>>
      %dma_wait3A_11 = arith.constant 0 : i32
      %dma_wait3A_12 = tpu.memref_slice %arg3[%dma_wait3A_11] : memref<107832xf32, #tpu.memory_space<hbm>> -> memref<35944xf32, #tpu.memory_space<hbm>>
      tpu.wait_dma2 semaphore(%run_scoped3A : memref<!tpu.dma_semaphore, #tpu.memory_space<semaphore_mem>>) src(%dma_wait3A_12 : memref<35944xf32, #tpu.memory_space<hbm>>) dst(%arg5 : memref<35944xf32, #tpu.memory_space<vmem>>)
      tpu.yield
    }) : () -> ()
    "tpu.region"() ({
      %run_scoped3A = tpu.sem_alloc : memref<!tpu.dma_semaphore, #tpu.memory_space<semaphore_mem>>
      %dma_start3A = arith.constant 35944 : i32
      %dma_start3A_7 = tpu.memref_slice %arg3[%dma_start3A] : memref<107832xf32, #tpu.memory_space<hbm>> -> memref<35944xf32, #tpu.memory_space<hbm>>
      %dma_start3A_8 = arith.constant 35944 : i32
      %dma_start3A_9 = tpu.memref_slice %arg3[%dma_start3A_8] : memref<107832xf32, #tpu.memory_space<hbm>> -> memref<35944xf32, #tpu.memory_space<hbm>>
      tpu.enqueue_dma source(%dma_start3A_9 : memref<35944xf32, #tpu.memory_space<hbm>>) target(%arg6 : memref<35944xf32, #tpu.memory_space<vmem>>) target_semaphore(%run_scoped3A : memref<!tpu.dma_semaphore, #tpu.memory_space<semaphore_mem>>)
      %dma_wait3A = arith.constant 35944 : i32
      %dma_wait3A_10 = tpu.memref_slice %arg3[%dma_wait3A] : memref<107832xf32, #tpu.memory_space<hbm>> -> memref<35944xf32, #tpu.memory_space<hbm>>
      %dma_wait3A_11 = arith.constant 35944 : i32
      %dma_wait3A_12 = tpu.memref_slice %arg3[%dma_wait3A_11] : memref<107832xf32, #tpu.memory_space<hbm>> -> memref<35944xf32, #tpu.memory_space<hbm>>
      tpu.wait_dma2 semaphore(%run_scoped3A : memref<!tpu.dma_semaphore, #tpu.memory_space<semaphore_mem>>) src(%dma_wait3A_12 : memref<35944xf32, #tpu.memory_space<hbm>>) dst(%arg6 : memref<35944xf32, #tpu.memory_space<vmem>>)
      tpu.yield
    }) : () -> ()
    "tpu.region"() ({
      %run_scoped3A = tpu.sem_alloc : memref<!tpu.dma_semaphore, #tpu.memory_space<semaphore_mem>>
      %dma_start3A = arith.constant 71888 : i32
      %dma_start3A_7 = tpu.memref_slice %arg3[%dma_start3A] : memref<107832xf32, #tpu.memory_space<hbm>> -> memref<35944xf32, #tpu.memory_space<hbm>>
      %dma_start3A_8 = arith.constant 71888 : i32
      %dma_start3A_9 = tpu.memref_slice %arg3[%dma_start3A_8] : memref<107832xf32, #tpu.memory_space<hbm>> -> memref<35944xf32, #tpu.memory_space<hbm>>
      tpu.enqueue_dma source(%dma_start3A_9 : memref<35944xf32, #tpu.memory_space<hbm>>) target(%arg7 : memref<35944xf32, #tpu.memory_space<vmem>>) target_semaphore(%run_scoped3A : memref<!tpu.dma_semaphore, #tpu.memory_space<semaphore_mem>>)
      %dma_wait3A = arith.constant 71888 : i32
      %dma_wait3A_10 = tpu.memref_slice %arg3[%dma_wait3A] : memref<107832xf32, #tpu.memory_space<hbm>> -> memref<35944xf32, #tpu.memory_space<hbm>>
      %dma_wait3A_11 = arith.constant 71888 : i32
      %dma_wait3A_12 = tpu.memref_slice %arg3[%dma_wait3A_11] : memref<107832xf32, #tpu.memory_space<hbm>> -> memref<35944xf32, #tpu.memory_space<hbm>>
      tpu.wait_dma2 semaphore(%run_scoped3A : memref<!tpu.dma_semaphore, #tpu.memory_space<semaphore_mem>>) src(%dma_wait3A_12 : memref<35944xf32, #tpu.memory_space<hbm>>) dst(%arg7 : memref<35944xf32, #tpu.memory_space<vmem>>)
      tpu.yield
    }) : () -> ()
    %mul3A_1 = arith.constant 259200 : i32
    %mul3A_2 = arith.muli %add3A, %mul3A_1 : i32
    %scan3A = arith.constant 0 : i32
    %scan3A_3 = arith.constant 216 : i32
    %scan3A_4 = arith.addi %scan3A, %scan3A_3 : i32
    %scan3A_5 = arith.constant 1 : i32
    scf.for %scan3A_7 = %scan3A to %scan3A_4 step %scan3A_5  : i32 {
      %mul3A_8 = arith.constant 1 : i32
      %mul3A_9 = arith.muli %scan3A_7, %mul3A_8 : i32
      %add3A_10 = arith.constant 0 : i32
      %add3A_11 = arith.addi %add3A_10, %mul3A_9 : i32
      %mul3A_12 = arith.constant 1200 : i32
      %mul3A_13 = arith.muli %add3A_11, %mul3A_12 : i32
      %add3A_14 = arith.addi %mul3A_2, %mul3A_13 : i32
      "tpu.region"() ({
        %run_scoped3A = tpu.sem_alloc : memref<!tpu.dma_semaphore, #tpu.memory_space<semaphore_mem>>
        %dma_start3A = tpu.memref_slice %arg2[%add3A_14] : memref<24883200xf32, #tpu.memory_space<hbm>> -> memref<1200xf32, #tpu.memory_space<hbm>>
        %dma_start3A_28 = tpu.memref_slice %arg2[%add3A_14] : memref<24883200xf32, #tpu.memory_space<hbm>> -> memref<1200xf32, #tpu.memory_space<hbm>>
        tpu.enqueue_dma source(%dma_start3A_28 : memref<1200xf32, #tpu.memory_space<hbm>>) target(%arg8 : memref<1200xf32, #tpu.memory_space<vmem>>) target_semaphore(%run_scoped3A : memref<!tpu.dma_semaphore, #tpu.memory_space<semaphore_mem>>)
        %dma_wait3A = tpu.memref_slice %arg2[%add3A_14] : memref<24883200xf32, #tpu.memory_space<hbm>> -> memref<1200xf32, #tpu.memory_space<hbm>>
        %dma_wait3A_29 = tpu.memref_slice %arg2[%add3A_14] : memref<24883200xf32, #tpu.memory_space<hbm>> -> memref<1200xf32, #tpu.memory_space<hbm>>
        tpu.wait_dma2 semaphore(%run_scoped3A : memref<!tpu.dma_semaphore, #tpu.memory_space<semaphore_mem>>) src(%dma_wait3A_29 : memref<1200xf32, #tpu.memory_space<hbm>>) dst(%arg8 : memref<1200xf32, #tpu.memory_space<vmem>>)
        tpu.yield
      }) : () -> ()
      %add3A_15 = arith.constant 8294400 : i32
      %add3A_16 = arith.addi %add3A_15, %add3A_14 : i32
      "tpu.region"() ({
        %run_scoped3A = tpu.sem_alloc : memref<!tpu.dma_semaphore, #tpu.memory_space<semaphore_mem>>
        %dma_start3A = tpu.memref_slice %arg2[%add3A_16] : memref<24883200xf32, #tpu.memory_space<hbm>> -> memref<1200xf32, #tpu.memory_space<hbm>>
        %dma_start3A_28 = tpu.memref_slice %arg2[%add3A_16] : memref<24883200xf32, #tpu.memory_space<hbm>> -> memref<1200xf32, #tpu.memory_space<hbm>>
        tpu.enqueue_dma source(%dma_start3A_28 : memref<1200xf32, #tpu.memory_space<hbm>>) target(%arg9 : memref<1200xf32, #tpu.memory_space<vmem>>) target_semaphore(%run_scoped3A : memref<!tpu.dma_semaphore, #tpu.memory_space<semaphore_mem>>)
        %dma_wait3A = tpu.memref_slice %arg2[%add3A_16] : memref<24883200xf32, #tpu.memory_space<hbm>> -> memref<1200xf32, #tpu.memory_space<hbm>>
        %dma_wait3A_29 = tpu.memref_slice %arg2[%add3A_16] : memref<24883200xf32, #tpu.memory_space<hbm>> -> memref<1200xf32, #tpu.memory_space<hbm>>
        tpu.wait_dma2 semaphore(%run_scoped3A : memref<!tpu.dma_semaphore, #tpu.memory_space<semaphore_mem>>) src(%dma_wait3A_29 : memref<1200xf32, #tpu.memory_space<hbm>>) dst(%arg9 : memref<1200xf32, #tpu.memory_space<vmem>>)
        tpu.yield
      }) : () -> ()
      %add3A_17 = arith.constant 16588800 : i32
      %add3A_18 = arith.addi %add3A_17, %add3A_14 : i32
      "tpu.region"() ({
        %run_scoped3A = tpu.sem_alloc : memref<!tpu.dma_semaphore, #tpu.memory_space<semaphore_mem>>
        %dma_start3A = tpu.memref_slice %arg2[%add3A_18] : memref<24883200xf32, #tpu.memory_space<hbm>> -> memref<1200xf32, #tpu.memory_space<hbm>>
        %dma_start3A_28 = tpu.memref_slice %arg2[%add3A_18] : memref<24883200xf32, #tpu.memory_space<hbm>> -> memref<1200xf32, #tpu.memory_space<hbm>>
        tpu.enqueue_dma source(%dma_start3A_28 : memref<1200xf32, #tpu.memory_space<hbm>>) target(%arg10 : memref<1200xf32, #tpu.memory_space<vmem>>) target_semaphore(%run_scoped3A : memref<!tpu.dma_semaphore, #tpu.memory_space<semaphore_mem>>)
        %dma_wait3A = tpu.memref_slice %arg2[%add3A_18] : memref<24883200xf32, #tpu.memory_space<hbm>> -> memref<1200xf32, #tpu.memory_space<hbm>>
        %dma_wait3A_29 = tpu.memref_slice %arg2[%add3A_18] : memref<24883200xf32, #tpu.memory_space<hbm>> -> memref<1200xf32, #tpu.memory_space<hbm>>
        tpu.wait_dma2 semaphore(%run_scoped3A : memref<!tpu.dma_semaphore, #tpu.memory_space<semaphore_mem>>) src(%dma_wait3A_29 : memref<1200xf32, #tpu.memory_space<hbm>>) dst(%arg10 : memref<1200xf32, #tpu.memory_space<vmem>>)
        tpu.yield
      }) : () -> ()
      %scan3A_19 = arith.constant 0 : i32
      %scan3A_20 = arith.constant 75 : i32
      %scan3A_21 = arith.addi %scan3A_19, %scan3A_20 : i32
      %scan3A_22 = arith.constant 1 : i32
      scf.for %scan3A_28 = %scan3A_19 to %scan3A_21 step %scan3A_22  : i32 {
        %mul3A_29 = arith.constant 1 : i32
        %mul3A_30 = arith.muli %scan3A_28, %mul3A_29 : i32
        %add3A_31 = arith.constant 0 : i32
        %add3A_32 = arith.addi %add3A_31, %mul3A_30 : i32
        %mul3A_33 = arith.constant 16 : i32
        %mul3A_34 = arith.muli %add3A_32, %mul3A_33 : i32
        %get3A = arith.index_cast %mul3A_34 : i32 to index
        %get3A_35 = tpu.vector_load %arg8[%get3A] {strides = array<i32>} : memref<1200xf32, #tpu.memory_space<vmem>>, vector<16xf32>,
        %get3A_36 = arith.index_cast %mul3A_34 : i32 to index
        %get3A_37 = tpu.vector_load %arg9[%get3A_36] {strides = array<i32>} : memref<1200xf32, #tpu.memory_space<vmem>>, vector<16xf32>,
        %get3A_38 = arith.index_cast %mul3A_34 : i32 to index
        %get3A_39 = tpu.vector_load %arg10[%get3A_38] {strides = array<i32>} : memref<1200xf32, #tpu.memory_space<vmem>>, vector<16xf32>,
        %mul3A_40 = arith.constant 3.200000e+01 : f32
        %mul3A_41 = vector.broadcast %mul3A_40 : f32 to vector<16xf32>
        %mul3A_42 = arith.mulf %get3A_35, %mul3A_41 : vector<16xf32>
        %max3A = arith.constant 0.000000e+00 : f32
        %max3A_43 = vector.broadcast %max3A : f32 to vector<16xf32>
        %max3A_44 = arith.maximumf %mul3A_42, %max3A_43 : vector<16xf32>
        %min3A = arith.constant 3.200000e+01 : f32
        %min3A_45 = vector.broadcast %min3A : f32 to vector<16xf32>
        %min3A_46 = arith.minimumf %max3A_44, %min3A_45 : vector<16xf32>
        %mul3A_47 = arith.constant 3.200000e+01 : f32
        %mul3A_48 = vector.broadcast %mul3A_47 : f32 to vector<16xf32>
        %mul3A_49 = arith.mulf %get3A_37, %mul3A_48 : vector<16xf32>
        %max3A_50 = arith.constant 0.000000e+00 : f32
        %max3A_51 = vector.broadcast %max3A_50 : f32 to vector<16xf32>
        %max3A_52 = arith.maximumf %mul3A_49, %max3A_51 : vector<16xf32>
        %min3A_53 = arith.constant 3.200000e+01 : f32
        %min3A_54 = vector.broadcast %min3A_53 : f32 to vector<16xf32>
        %min3A_55 = arith.minimumf %max3A_52, %min3A_54 : vector<16xf32>
        %mul3A_56 = arith.constant 3.200000e+01 : f32
        %mul3A_57 = vector.broadcast %mul3A_56 : f32 to vector<16xf32>
        %mul3A_58 = arith.mulf %get3A_39, %mul3A_57 : vector<16xf32>
        %max3A_59 = arith.constant 0.000000e+00 : f32
        %max3A_60 = vector.broadcast %max3A_59 : f32 to vector<16xf32>
        %max3A_61 = arith.maximumf %mul3A_58, %max3A_60 : vector<16xf32>
        %min3A_62 = arith.constant 3.200000e+01 : f32
        %min3A_63 = vector.broadcast %min3A_62 : f32 to vector<16xf32>
        %min3A_64 = arith.minimumf %max3A_61, %min3A_63 : vector<16xf32>
        %convert_element_type3A = arith.fptosi %min3A_46 : vector<16xf32> to vector<16xi32>
        %convert_element_type3A_65 = arith.fptosi %min3A_55 : vector<16xf32> to vector<16xi32>
        %convert_element_type3A_66 = arith.fptosi %min3A_64 : vector<16xf32> to vector<16xi32>
        %convert_element_type3A_67 = arith.sitofp %convert_element_type3A : vector<16xi32> to vector<16xf32>
        %sub3A = arith.subf %min3A_46, %convert_element_type3A_67 : vector<16xf32>
        %convert_element_type3A_68 = arith.sitofp %convert_element_type3A_65 : vector<16xi32> to vector<16xf32>
        %sub3A_69 = arith.subf %min3A_55, %convert_element_type3A_68 : vector<16xf32>
        %convert_element_type3A_70 = arith.sitofp %convert_element_type3A_66 : vector<16xi32> to vector<16xf32>
        %sub3A_71 = arith.subf %min3A_64, %convert_element_type3A_70 : vector<16xf32>
        %lt3A = arith.constant 32 : i32
        %lt3A_72 = vector.broadcast %lt3A : i32 to vector<16xi32>
        %lt3A_73 = arith.cmpi slt, %convert_element_type3A, %lt3A_72 : vector<16xi32>
        %jit3A = arith.constant 1 : i32
        %jit3A_74 = arith.constant 0 : i32
        %broadcast_in_dim3A = vector.broadcast %jit3A : i32 to vector<16xi32>
        %broadcast_in_dim3A_75 = vector.broadcast %jit3A_74 : i32 to vector<16xi32>
        %select_n3A = arith.select %lt3A_73, %broadcast_in_dim3A, %broadcast_in_dim3A_75 : vector<16xi1>, vector<16xi32>
        %lt3A_76 = arith.constant 32 : i32
        %lt3A_77 = vector.broadcast %lt3A_76 : i32 to vector<16xi32>
        %lt3A_78 = arith.cmpi slt, %convert_element_type3A_65, %lt3A_77 : vector<16xi32>
        %jit3A_79 = arith.constant 33 : i32
        %jit3A_80 = arith.constant 0 : i32
        %broadcast_in_dim3A_81 = vector.broadcast %jit3A_79 : i32 to vector<16xi32>
        %broadcast_in_dim3A_82 = vector.broadcast %jit3A_80 : i32 to vector<16xi32>
        %select_n3A_83 = arith.select %lt3A_78, %broadcast_in_dim3A_81, %broadcast_in_dim3A_82 : vector<16xi1>, vector<16xi32>
        %lt3A_84 = arith.constant 32 : i32
        %lt3A_85 = vector.broadcast %lt3A_84 : i32 to vector<16xi32>
        %lt3A_86 = arith.cmpi slt, %convert_element_type3A_66, %lt3A_85 : vector<16xi32>
        %jit3A_87 = arith.constant 1089 : i32
        %jit3A_88 = arith.constant 0 : i32
        %broadcast_in_dim3A_89 = vector.broadcast %jit3A_87 : i32 to vector<16xi32>
        %broadcast_in_dim3A_90 = vector.broadcast %jit3A_88 : i32 to vector<16xi32>
        %select_n3A_91 = arith.select %lt3A_86, %broadcast_in_dim3A_89, %broadcast_in_dim3A_90 : vector<16xi1>, vector<16xi32>
        %mul3A_92 = arith.constant 33 : i32
        %mul3A_93 = vector.broadcast %mul3A_92 : i32 to vector<16xi32>
        %mul3A_94 = arith.muli %convert_element_type3A_66, %mul3A_93 : vector<16xi32>
        %add3A_95 = arith.addi %mul3A_94, %convert_element_type3A_65 : vector<16xi32>
        %mul3A_96 = arith.constant 33 : i32
        %mul3A_97 = vector.broadcast %mul3A_96 : i32 to vector<16xi32>
        %mul3A_98 = arith.muli %add3A_95, %mul3A_97 : vector<16xi32>
        %add3A_99 = arith.addi %mul3A_98, %convert_element_type3A : vector<16xi32>
        %add3A_100 = arith.addi %add3A_99, %select_n3A : vector<16xi32>
        %add3A_101 = arith.addi %add3A_99, %select_n3A_83 : vector<16xi32>
        %add3A_102 = arith.addi %add3A_101, %select_n3A : vector<16xi32>
        %add3A_103 = arith.addi %add3A_99, %select_n3A_91 : vector<16xi32>
        %add3A_104 = arith.addi %add3A_103, %select_n3A : vector<16xi32>
        %add3A_105 = arith.addi %add3A_103, %select_n3A_83 : vector<16xi32>
        %add3A_106 = arith.addi %add3A_105, %select_n3A : vector<16xi32>
        %gather3A = tpu.vector_load_idx %arg5[%add3A_99] : memref<35944xf32, #tpu.memory_space<vmem>>[vector<16xi32>], vector<16xf32>,
        %gather3A_107 = tpu.vector_load_idx %arg5[%add3A_100] : memref<35944xf32, #tpu.memory_space<vmem>>[vector<16xi32>], vector<16xf32>,
        %gather3A_108 = tpu.vector_load_idx %arg5[%add3A_101] : memref<35944xf32, #tpu.memory_space<vmem>>[vector<16xi32>], vector<16xf32>,
        %gather3A_109 = tpu.vector_load_idx %arg5[%add3A_102] : memref<35944xf32, #tpu.memory_space<vmem>>[vector<16xi32>], vector<16xf32>,
        %gather3A_110 = tpu.vector_load_idx %arg5[%add3A_103] : memref<35944xf32, #tpu.memory_space<vmem>>[vector<16xi32>], vector<16xf32>,
        %gather3A_111 = tpu.vector_load_idx %arg5[%add3A_104] : memref<35944xf32, #tpu.memory_space<vmem>>[vector<16xi32>], vector<16xf32>,
        %gather3A_112 = tpu.vector_load_idx %arg5[%add3A_105] : memref<35944xf32, #tpu.memory_space<vmem>>[vector<16xi32>], vector<16xf32>,
        %gather3A_113 = tpu.vector_load_idx %arg5[%add3A_106] : memref<35944xf32, #tpu.memory_space<vmem>>[vector<16xi32>], vector<16xf32>,
        %sub3A_114 = arith.subf %gather3A_107, %gather3A : vector<16xf32>
        %mul3A_115 = arith.mulf %sub3A, %sub3A_114 : vector<16xf32>
        %add3A_116 = arith.addf %gather3A, %mul3A_115 : vector<16xf32>
        %sub3A_117 = arith.subf %gather3A_109, %gather3A_108 : vector<16xf32>
        %mul3A_118 = arith.mulf %sub3A, %sub3A_117 : vector<16xf32>
        %add3A_119 = arith.addf %gather3A_108, %mul3A_118 : vector<16xf32>
        %sub3A_120 = arith.subf %gather3A_111, %gather3A_110 : vector<16xf32>
        %mul3A_121 = arith.mulf %sub3A, %sub3A_120 : vector<16xf32>
        %add3A_122 = arith.addf %gather3A_110, %mul3A_121 : vector<16xf32>
        %sub3A_123 = arith.subf %gather3A_113, %gather3A_112 : vector<16xf32>
        %mul3A_124 = arith.mulf %sub3A, %sub3A_123 : vector<16xf32>
        %add3A_125 = arith.addf %gather3A_112, %mul3A_124 : vector<16xf32>
        %sub3A_126 = arith.subf %add3A_119, %add3A_116 : vector<16xf32>
        %mul3A_127 = arith.mulf %sub3A_69, %sub3A_126 : vector<16xf32>
        %add3A_128 = arith.addf %add3A_116, %mul3A_127 : vector<16xf32>
        %sub3A_129 = arith.subf %add3A_125, %add3A_122 : vector<16xf32>
        %mul3A_130 = arith.mulf %sub3A_69, %sub3A_129 : vector<16xf32>
        %add3A_131 = arith.addf %add3A_122, %mul3A_130 : vector<16xf32>
        %sub3A_132 = arith.subf %add3A_131, %add3A_128 : vector<16xf32>
        %mul3A_133 = arith.mulf %sub3A_71, %sub3A_132 : vector<16xf32>
        %add3A_134 = arith.addf %add3A_128, %mul3A_133 : vector<16xf32>
        %max3A_135 = arith.constant 0.000000e+00 : f32
        %max3A_136 = vector.broadcast %max3A_135 : f32 to vector<16xf32>
        %max3A_137 = arith.maximumf %add3A_134, %max3A_136 : vector<16xf32>
        %min3A_138 = arith.constant 1.000000e+00 : f32
        %min3A_139 = vector.broadcast %min3A_138 : f32 to vector<16xf32>
        %min3A_140 = arith.minimumf %max3A_137, %min3A_139 : vector<16xf32>
        %swap3A = arith.index_cast %mul3A_34 : i32 to index
        %swap3A_141 = tpu.vector_load %arg11[%swap3A] {strides = array<i32>} : memref<1200xf32, #tpu.memory_space<vmem>>, vector<16xf32>,
        tpu.vector_store %arg11[%swap3A], %min3A_140 {strides = array<i32>} : memref<1200xf32, #tpu.memory_space<vmem>>, vector<16xf32>,
        %gather3A_142 = tpu.vector_load_idx %arg6[%add3A_99] : memref<35944xf32, #tpu.memory_space<vmem>>[vector<16xi32>], vector<16xf32>,
        %gather3A_143 = tpu.vector_load_idx %arg6[%add3A_100] : memref<35944xf32, #tpu.memory_space<vmem>>[vector<16xi32>], vector<16xf32>,
        %gather3A_144 = tpu.vector_load_idx %arg6[%add3A_101] : memref<35944xf32, #tpu.memory_space<vmem>>[vector<16xi32>], vector<16xf32>,
        %gather3A_145 = tpu.vector_load_idx %arg6[%add3A_102] : memref<35944xf32, #tpu.memory_space<vmem>>[vector<16xi32>], vector<16xf32>,
        %gather3A_146 = tpu.vector_load_idx %arg6[%add3A_103] : memref<35944xf32, #tpu.memory_space<vmem>>[vector<16xi32>], vector<16xf32>,
        %gather3A_147 = tpu.vector_load_idx %arg6[%add3A_104] : memref<35944xf32, #tpu.memory_space<vmem>>[vector<16xi32>], vector<16xf32>,
        %gather3A_148 = tpu.vector_load_idx %arg6[%add3A_105] : memref<35944xf32, #tpu.memory_space<vmem>>[vector<16xi32>], vector<16xf32>,
        %gather3A_149 = tpu.vector_load_idx %arg6[%add3A_106] : memref<35944xf32, #tpu.memory_space<vmem>>[vector<16xi32>], vector<16xf32>,
        %sub3A_150 = arith.subf %gather3A_143, %gather3A_142 : vector<16xf32>
        %mul3A_151 = arith.mulf %sub3A, %sub3A_150 : vector<16xf32>
        %add3A_152 = arith.addf %gather3A_142, %mul3A_151 : vector<16xf32>
        %sub3A_153 = arith.subf %gather3A_145, %gather3A_144 : vector<16xf32>
        %mul3A_154 = arith.mulf %sub3A, %sub3A_153 : vector<16xf32>
        %add3A_155 = arith.addf %gather3A_144, %mul3A_154 : vector<16xf32>
        %sub3A_156 = arith.subf %gather3A_147, %gather3A_146 : vector<16xf32>
        %mul3A_157 = arith.mulf %sub3A, %sub3A_156 : vector<16xf32>
        %add3A_158 = arith.addf %gather3A_146, %mul3A_157 : vector<16xf32>
        %sub3A_159 = arith.subf %gather3A_149, %gather3A_148 : vector<16xf32>
        %mul3A_160 = arith.mulf %sub3A, %sub3A_159 : vector<16xf32>
        %add3A_161 = arith.addf %gather3A_148, %mul3A_160 : vector<16xf32>
        %sub3A_162 = arith.subf %add3A_155, %add3A_152 : vector<16xf32>
        %mul3A_163 = arith.mulf %sub3A_69, %sub3A_162 : vector<16xf32>
        %add3A_164 = arith.addf %add3A_152, %mul3A_163 : vector<16xf32>
        %sub3A_165 = arith.subf %add3A_161, %add3A_158 : vector<16xf32>
        %mul3A_166 = arith.mulf %sub3A_69, %sub3A_165 : vector<16xf32>
        %add3A_167 = arith.addf %add3A_158, %mul3A_166 : vector<16xf32>
        %sub3A_168 = arith.subf %add3A_167, %add3A_164 : vector<16xf32>
        %mul3A_169 = arith.mulf %sub3A_71, %sub3A_168 : vector<16xf32>
        %add3A_170 = arith.addf %add3A_164, %mul3A_169 : vector<16xf32>
        %max3A_171 = arith.constant 0.000000e+00 : f32
        %max3A_172 = vector.broadcast %max3A_171 : f32 to vector<16xf32>
        %max3A_173 = arith.maximumf %add3A_170, %max3A_172 : vector<16xf32>
        %min3A_174 = arith.constant 1.000000e+00 : f32
        %min3A_175 = vector.broadcast %min3A_174 : f32 to vector<16xf32>
        %min3A_176 = arith.minimumf %max3A_173, %min3A_175 : vector<16xf32>
        %swap3A_177 = arith.index_cast %mul3A_34 : i32 to index
        %swap3A_178 = tpu.vector_load %arg12[%swap3A_177] {strides = array<i32>} : memref<1200xf32, #tpu.memory_space<vmem>>, vector<16xf32>,
        tpu.vector_store %arg12[%swap3A_177], %min3A_176 {strides = array<i32>} : memref<1200xf32, #tpu.memory_space<vmem>>, vector<16xf32>,
        %gather3A_179 = tpu.vector_load_idx %arg7[%add3A_99] : memref<35944xf32, #tpu.memory_space<vmem>>[vector<16xi32>], vector<16xf32>,
        %gather3A_180 = tpu.vector_load_idx %arg7[%add3A_100] : memref<35944xf32, #tpu.memory_space<vmem>>[vector<16xi32>], vector<16xf32>,
        %gather3A_181 = tpu.vector_load_idx %arg7[%add3A_101] : memref<35944xf32, #tpu.memory_space<vmem>>[vector<16xi32>], vector<16xf32>,
        %gather3A_182 = tpu.vector_load_idx %arg7[%add3A_102] : memref<35944xf32, #tpu.memory_space<vmem>>[vector<16xi32>], vector<16xf32>,
        %gather3A_183 = tpu.vector_load_idx %arg7[%add3A_103] : memref<35944xf32, #tpu.memory_space<vmem>>[vector<16xi32>], vector<16xf32>,
        %gather3A_184 = tpu.vector_load_idx %arg7[%add3A_104] : memref<35944xf32, #tpu.memory_space<vmem>>[vector<16xi32>], vector<16xf32>,
        %gather3A_185 = tpu.vector_load_idx %arg7[%add3A_105] : memref<35944xf32, #tpu.memory_space<vmem>>[vector<16xi32>], vector<16xf32>,
        %gather3A_186 = tpu.vector_load_idx %arg7[%add3A_106] : memref<35944xf32, #tpu.memory_space<vmem>>[vector<16xi32>], vector<16xf32>,
        %sub3A_187 = arith.subf %gather3A_180, %gather3A_179 : vector<16xf32>
        %mul3A_188 = arith.mulf %sub3A, %sub3A_187 : vector<16xf32>
        %add3A_189 = arith.addf %gather3A_179, %mul3A_188 : vector<16xf32>
        %sub3A_190 = arith.subf %gather3A_182, %gather3A_181 : vector<16xf32>
        %mul3A_191 = arith.mulf %sub3A, %sub3A_190 : vector<16xf32>
        %add3A_192 = arith.addf %gather3A_181, %mul3A_191 : vector<16xf32>
        %sub3A_193 = arith.subf %gather3A_184, %gather3A_183 : vector<16xf32>
        %mul3A_194 = arith.mulf %sub3A, %sub3A_193 : vector<16xf32>
        %add3A_195 = arith.addf %gather3A_183, %mul3A_194 : vector<16xf32>
        %sub3A_196 = arith.subf %gather3A_186, %gather3A_185 : vector<16xf32>
        %mul3A_197 = arith.mulf %sub3A, %sub3A_196 : vector<16xf32>
        %add3A_198 = arith.addf %gather3A_185, %mul3A_197 : vector<16xf32>
        %sub3A_199 = arith.subf %add3A_192, %add3A_189 : vector<16xf32>
        %mul3A_200 = arith.mulf %sub3A_69, %sub3A_199 : vector<16xf32>
        %add3A_201 = arith.addf %add3A_189, %mul3A_200 : vector<16xf32>
        %sub3A_202 = arith.subf %add3A_198, %add3A_195 : vector<16xf32>
        %mul3A_203 = arith.mulf %sub3A_69, %sub3A_202 : vector<16xf32>
        %add3A_204 = arith.addf %add3A_195, %mul3A_203 : vector<16xf32>
        %sub3A_205 = arith.subf %add3A_204, %add3A_201 : vector<16xf32>
        %mul3A_206 = arith.mulf %sub3A_71, %sub3A_205 : vector<16xf32>
        %add3A_207 = arith.addf %add3A_201, %mul3A_206 : vector<16xf32>
        %max3A_208 = arith.constant 0.000000e+00 : f32
        %max3A_209 = vector.broadcast %max3A_208 : f32 to vector<16xf32>
        %max3A_210 = arith.maximumf %add3A_207, %max3A_209 : vector<16xf32>
        %min3A_211 = arith.constant 1.000000e+00 : f32
        %min3A_212 = vector.broadcast %min3A_211 : f32 to vector<16xf32>
        %min3A_213 = arith.minimumf %max3A_210, %min3A_212 : vector<16xf32>
        %swap3A_214 = arith.index_cast %mul3A_34 : i32 to index
        %swap3A_215 = tpu.vector_load %arg13[%swap3A_214] {strides = array<i32>} : memref<1200xf32, #tpu.memory_space<vmem>>, vector<16xf32>,
        tpu.vector_store %arg13[%swap3A_214], %min3A_213 {strides = array<i32>} : memref<1200xf32, #tpu.memory_space<vmem>>, vector<16xf32>,
      }
      %scan3A_23 = arith.constant 75 : i32
      "tpu.region"() ({
        %run_scoped3A = tpu.sem_alloc : memref<!tpu.dma_semaphore, #tpu.memory_space<semaphore_mem>>
        %dma_start3A = tpu.memref_slice %arg4[%add3A_14] : memref<24883200xf32, #tpu.memory_space<hbm>> -> memref<1200xf32, #tpu.memory_space<hbm>>
        %dma_start3A_28 = tpu.memref_slice %arg4[%add3A_14] : memref<24883200xf32, #tpu.memory_space<hbm>> -> memref<1200xf32, #tpu.memory_space<hbm>>
        tpu.enqueue_dma source(%arg11 : memref<1200xf32, #tpu.memory_space<vmem>>) target(%dma_start3A_28 : memref<1200xf32, #tpu.memory_space<hbm>>) target_semaphore(%run_scoped3A : memref<!tpu.dma_semaphore, #tpu.memory_space<semaphore_mem>>)
        %dma_wait3A = tpu.memref_slice %arg4[%add3A_14] : memref<24883200xf32, #tpu.memory_space<hbm>> -> memref<1200xf32, #tpu.memory_space<hbm>>
        %dma_wait3A_29 = tpu.memref_slice %arg4[%add3A_14] : memref<24883200xf32, #tpu.memory_space<hbm>> -> memref<1200xf32, #tpu.memory_space<hbm>>
        tpu.wait_dma2 semaphore(%run_scoped3A : memref<!tpu.dma_semaphore, #tpu.memory_space<semaphore_mem>>) src(%arg11 : memref<1200xf32, #tpu.memory_space<vmem>>) dst(%dma_wait3A_29 : memref<1200xf32, #tpu.memory_space<hbm>>)
        tpu.yield
      }) : () -> ()
      %add3A_24 = arith.constant 8294400 : i32
      %add3A_25 = arith.addi %add3A_24, %add3A_14 : i32
      "tpu.region"() ({
        %run_scoped3A = tpu.sem_alloc : memref<!tpu.dma_semaphore, #tpu.memory_space<semaphore_mem>>
        %dma_start3A = tpu.memref_slice %arg4[%add3A_25] : memref<24883200xf32, #tpu.memory_space<hbm>> -> memref<1200xf32, #tpu.memory_space<hbm>>
        %dma_start3A_28 = tpu.memref_slice %arg4[%add3A_25] : memref<24883200xf32, #tpu.memory_space<hbm>> -> memref<1200xf32, #tpu.memory_space<hbm>>
        tpu.enqueue_dma source(%arg12 : memref<1200xf32, #tpu.memory_space<vmem>>) target(%dma_start3A_28 : memref<1200xf32, #tpu.memory_space<hbm>>) target_semaphore(%run_scoped3A : memref<!tpu.dma_semaphore, #tpu.memory_space<semaphore_mem>>)
        %dma_wait3A = tpu.memref_slice %arg4[%add3A_25] : memref<24883200xf32, #tpu.memory_space<hbm>> -> memref<1200xf32, #tpu.memory_space<hbm>>
        %dma_wait3A_29 = tpu.memref_slice %arg4[%add3A_25] : memref<24883200xf32, #tpu.memory_space<hbm>> -> memref<1200xf32, #tpu.memory_space<hbm>>
        tpu.wait_dma2 semaphore(%run_scoped3A : memref<!tpu.dma_semaphore, #tpu.memory_space<semaphore_mem>>) src(%arg12 : memref<1200xf32, #tpu.memory_space<vmem>>) dst(%dma_wait3A_29 : memref<1200xf32, #tpu.memory_space<hbm>>)
        tpu.yield
      }) : () -> ()
      %add3A_26 = arith.constant 16588800 : i32
      %add3A_27 = arith.addi %add3A_26, %add3A_14 : i32
      "tpu.region"() ({
        %run_scoped3A = tpu.sem_alloc : memref<!tpu.dma_semaphore, #tpu.memory_space<semaphore_mem>>
        %dma_start3A = tpu.memref_slice %arg4[%add3A_27] : memref<24883200xf32, #tpu.memory_space<hbm>> -> memref<1200xf32, #tpu.memory_space<hbm>>
        %dma_start3A_28 = tpu.memref_slice %arg4[%add3A_27] : memref<24883200xf32, #tpu.memory_space<hbm>> -> memref<1200xf32, #tpu.memory_space<hbm>>
        tpu.enqueue_dma source(%arg13 : memref<1200xf32, #tpu.memory_space<vmem>>) target(%dma_start3A_28 : memref<1200xf32, #tpu.memory_space<hbm>>) target_semaphore(%run_scoped3A : memref<!tpu.dma_semaphore, #tpu.memory_space<semaphore_mem>>)
        %dma_wait3A = tpu.memref_slice %arg4[%add3A_27] : memref<24883200xf32, #tpu.memory_space<hbm>> -> memref<1200xf32, #tpu.memory_space<hbm>>
        %dma_wait3A_29 = tpu.memref_slice %arg4[%add3A_27] : memref<24883200xf32, #tpu.memory_space<hbm>> -> memref<1200xf32, #tpu.memory_space<hbm>>
        tpu.wait_dma2 semaphore(%run_scoped3A : memref<!tpu.dma_semaphore, #tpu.memory_space<semaphore_mem>>) src(%arg13 : memref<1200xf32, #tpu.memory_space<vmem>>) dst(%dma_wait3A_29 : memref<1200xf32, #tpu.memory_space<hbm>>)
        tpu.yield
      }) : () -> ()
    }
    %scan3A_6 = arith.constant 216 : i32
    return
  }
}

</mosaic_0001>

<sc_bundles>
// kernel: _apply_lut_sc.3.cloned.1.call-start
scs
__scs_entry_jumppad:
0x0: {  	(pc) =	sbr.rel $0x88, $3  }
0x1: {  	(tag) =	ssettag $0x0;
	lr =	simm.s32 $0x1  }
0x2: {  	[smem:$0x3F9F] =	sst lr;
	_ =	strace $0xD0000000  }
0x3: {  	_ = 	snop  }
0x4: {  	_ = 	snop  }
0x5: {  	_ = 	snop  }
0x6: {  	_ = 	snop  }
0x7: {  	_ = 	snop  }
__scs_overlays_trampoline_lowered:
0x8: {  	[smem:$0x3FAE] =	sst s0  }
0x9: {  	[smem:$0x3FAF] =	sst s1  }
0xa: {  	[smem:$0x3FB0] =	sst s2  }
0xb: {  	[smem:$0x3FB1] =	sst s3  }
0xc: {  	[smem:$0x3FB2] =	sst s4  }
0xd: {  	[smem:$0x3FB3] =	sst s5  }
0xe: {  	[smem:$0x3FB4] =	sst s6  }
0xf: {  	[smem:$0x3FB5] =	sst s7  }
0x10: {  	[smem:$0x3FB6] =	sst s8  }
0x11: {  	[smem:$0x3FB7] =	sst s9;
	s0 =	simm.s32 @!p0 $0x0  }
0x12: {  	s1 =	sld [smem:$0x3F9D];
	s0 =	simm.s32 @p0 $0x1  }
0x13: {  	[smem:$0x3FB8] =	sst s0;
	s0 =	simm.s32 @!p1 $0x0  }
0x14: {  	s2 =	sld [smem:$0x3F9C];
	s0 =	simm.s32 @p1 $0x1  }
0x15: {  	[smem:$0x3FB9] =	sst s0;
	s0 =	simm.s32 @!p2 $0x0  }
0x16: {  	s3 =	sld [smem:$0x3FDB];
	s0 =	simm.s32 @p2 $0x1  }
0x17: {  	s4 =	simm.s32 $0x1BF5;
	[smem:$0x3FBB] =	sst s0  }
0x18: {  	s0 =	sld [smem:$0x3F9E];
	_ =	swait.ge [sflag:s4], $0x0  }
0x19: {  	s7 =	sld [smem:$0x3F9F]  }
0x1a: {  	s8 =	sadd.s32 $0xFFFFE003, lr  }
0x1b: {  	s9 =	sadd.s32 $0xFFFFFEF7, lr;
	s5 =	simm.s32 $0xFFFFFFFF;
	p2 =	slt.u32 s8, $0xFFFFF086  }
0x1c: {  	p1 =	slt.u32 s9, $0xF7A;
	s5 =	simm.s32 @!p2 $0x0  }
0x1d: {  	s5 =	simm.s32 @p1 $0x1;
	p0 =	seq.s32 s7, s2  }
0x1e: {  	s7 =	smul.u32 @!p0 $0xF7A, s2;
	p2 =	seq.s32 @!p0 s5, $0x0  }
0x1f: {  	s9 =	smul.u32 $0xF7A, s1;
	s8 =	simm.s32 @!p0 $0x1BF5;
	p2 =	por !p2, p0  }
0x20: {  	[sflag:s8] =	ssyncset.s32 @!p0 $0xFFFFF086;
	s6 =	sadd.s32 @!p0 s3, s7;
	s7 =	simm.s32 @!p0 $0x108  }
0x21: {  	s3 =	sadd.s32 s3, s9;
	s6 =	sadd.s32 @!p0 $0x88, s6;
	s7 =	simm.s32 @p2 $0x1082  }
0x22: {  	[simem:s7], [sflag:s8] =	dma.local @!p0 [hbm:s6], $0xF7A  }
0x23: {  	s9 =	sor.u32 $0xD0000000, s2;
	s6 =	simm.s32 $0x108;
	_ =	swait.ge @!p0 [sflag:s8], $0x0  }
0x24: {  	s3 =	sadd.s32 $0x88, s3;
	s6 =	simm.s32 @!p1 $0x1082;
	[sflag:s4] =	ssyncset.s32 $0xFFFFF086  }
0x25: {  	[simem:s6], [sflag:s4] =	dma.local [hbm:s3], $0xF7A  }
0x26: {  	[smem:$0x3F9F] =	sst s1;
	(tag) =	ssettag s2;
	_ =	strace s9  }
0x27: {  	s1 =	sld [smem:$0x3FAF]  }
0x28: {  	s2 =	sld [smem:$0x3FB0]  }
0x29: {  	s4 =	sld [smem:$0x3FB2]  }
0x2a: {  	p0 =	seq.s32 s5, $0x0;
	s5 =	sld [smem:$0x3FB3]  }
0x2b: {  	s6 =	sld [smem:$0x3FB4]  }
0x2c: {  	s7 =	sld [smem:$0x3FB5]  }
0x2d: {  	s3 =	simm.s32 $0x108;
	s8 =	sld [smem:$0x3FB6]  }
0x2e: {  	s3 =	simm.s32 @!p0 $0x1082;
	s9 =	sld [smem:$0x3FB7]  }
0x2f: {  	lr =	sadd.s32 s0, s3;
	s0 =	sld [smem:$0x3FAE]  }
0x30: {  	s3 =	sld [smem:$0x3FB1]  }
0x31: {  	[smem:$0x3FBA] =	sst s10  }
0x32: {  	s10 =	sld [smem:$0x3FB8];
	_ =	sdelay $0x3  }
0x33: {  	p0 =	seq.s32 s10, $0x1;
	s10 =	sld [smem:$0x3FBA];
	_ =	sdelay $0x3  }
0x34: {  	[smem:$0x3FBA] =	sst s10  }
0x35: {  	s10 =	sld [smem:$0x3FB9];
	_ =	sdelay $0x3  }
0x36: {  	p1 =	seq.s32 s10, $0x1;
	s10 =	sld [smem:$0x3FBA];
	_ =	sdelay $0x3  }
0x37: {  	[smem:$0x3FBA] =	sst s10  }
0x38: {  	s10 =	sld [smem:$0x3FBB]  }
0x39: {  	_ = 	snop;
	(pc) =	sbr.ind lr, $3  }
0x3a: {  	_ = 	snop  }
0x3b: {  	_ = 	snop  }
0x3c: {  	p2 =	seq.s32 s10, $0x1;
	s10 =	sld [smem:$0x3FBA]  }
0x3d: {  	_ =	shalt  }
0x3e: {  	_ =	shalt  }
0x3f: {  	_ =	shalt  }
0x40: {  	_ =	shalt  }
0x41: {  	_ =	shalt  }
0x42: {  	_ =	shalt  }
0x43: {  	_ =	shalt  }
0x44: {  	_ =	shalt  }
0x45: {  	_ =	shalt  }
0x46: {  	_ =	shalt  }
0x47: {  	_ =	shalt  }
0x48: {  	_ =	shalt  }
0x49: {  	_ =	shalt  }
0x4a: {  	_ =	shalt  }
0x4b: {  	_ =	shalt  }
0x4c: {  	_ =	shalt  }
0x4d: {  	_ =	shalt  }
0x4e: {  	_ =	shalt  }
0x4f: {  	_ =	shalt  }
0x50: {  	_ =	shalt  }
0x51: {  	_ =	shalt  }
0x52: {  	_ =	shalt  }
0x53: {  	_ =	shalt  }
0x54: {  	_ =	shalt  }
0x55: {  	_ =	shalt  }
0x56: {  	_ =	shalt  }
0x57: {  	_ =	shalt  }
0x58: {  	_ =	shalt  }
0x59: {  	_ =	shalt  }
0x5a: {  	_ =	shalt  }
0x5b: {  	_ =	shalt  }
0x5c: {  	_ =	shalt  }
0x5d: {  	_ =	shalt  }
0x5e: {  	_ =	shalt  }
0x5f: {  	_ =	shalt  }
0x60: {  	_ =	shalt  }
0x61: {  	_ =	shalt  }
0x62: {  	_ =	shalt  }
0x63: {  	_ =	shalt  }
0x64: {  	_ =	shalt  }
0x65: {  	_ =	shalt  }
0x66: {  	_ =	shalt  }
0x67: {  	_ =	shalt  }
0x68: {  	_ =	shalt  }
0x69: {  	_ =	shalt  }
0x6a: {  	_ =	shalt  }
0x6b: {  	_ =	shalt  }
0x6c: {  	_ =	shalt  }
0x6d: {  	_ =	shalt  }
0x6e: {  	_ =	shalt  }
0x6f: {  	_ =	shalt  }
0x70: {  	_ =	shalt  }
0x71: {  	_ =	shalt  }
0x72: {  	_ =	shalt  }
0x73: {  	_ =	shalt  }
0x74: {  	_ =	shalt  }
0x75: {  	_ =	shalt  }
0x76: {  	_ =	shalt  }
0x77: {  	_ =	shalt  }
0x78: {  	_ =	shalt  }
0x79: {  	_ =	shalt  }
0x7a: {  	_ =	shalt  }
0x7b: {  	_ =	shalt  }
0x7c: {  	_ =	shalt  }
0x7d: {  	_ =	shalt  }
0x7e: {  	_ =	shalt  }
0x7f: {  	_ =	shalt  }
0x80: {  	_ =	shalt  }
0x81: {  	_ =	shalt  }
0x82: {  	_ =	shalt  }
0x83: {  	_ =	shalt  }
0x84: {  	_ =	shalt  }
0x85: {  	_ =	shalt  }
0x86: {  	_ =	shalt  }
0x87: {  	_ =	shalt  }
.Lfunc_end0:
.L_simem_size_0:
called_computation_lowered:
.L_overlay_start_0:
0x88: {  	s2 =	sld [smem:$0x3FD9]  }
0x89: {  	s3 =	sld [smem:$0x3FFE];
	_ =	sdelay $0x1  }
0x8a: {  	s1 =	srdreg.scid  }
0x8b: {  	s0 =	sand.u32 $0x1, s1  }
0x8c: {  	s18 =	sshll.u32 s0, $0xA;
	s2 =	sadd.s32 s3, s2  }
0x8d: {  	s2 =	sadd.s32 s2, s18  }
0x8e: {  	[smem:$0x3FC6] =	sst s2  }
0x8f: {  	_ = 	snop  }
0x90: {  	s2 =	sld [smem:$0x3FC9]  }
0x91: {  	s19 =	sld [smem:$0x3FC8]  }
0x92: {  	s4 =	sld [smem:$0x3FD0];
	(tm) =	ssettm $0x1  }
0x93: {  	s5 =	sld [smem:$0x3FFB];
	_ =	sdelay $0x3  }
0x94: {  	_ =	strace s5  }
0x95: {  	s5 =	sld [smem:$0x3FFC];
	_ =	sdelay $0x3  }
0x96: {  	_ =	strace s5  }
0x97: {  	s5 =	sld [smem:$0x3FFD];
	_ =	sdelay $0x3  }
0x98: {  	_ =	strace s5  }
0x99: {  	_ =	strace $0x8FFFFFFF  }
0x9a: {  	s20 =	sld [smem:$0x3FDB];
	_ =	sdelay $0x1  }
0x9b: {  	s6 =	simm.s32 $_scs_section_size  }
0x9c: {  	s7 =	simm.s32 $_size__tile_overlayer_lowered;
	s8 =	simm.s32 $_tile_overlayer_lowered  }
0x9d: {  	s23 =	simm.s32 $0x1BFF;
	s22 =	sshll.u32 s8, $0x1;
	s5 =	sadd.s32 s6, s20  }
0x9e: {  	s9 =	simm.s32 $0x0;
	s21 =	sshll.u32 s7, $0x1;
	s7 =	sadd.s32 s22, s5  }
0x9f: {  	[timem:s9], [sflag:s23] =	dma.local [hbm:s7], s21  }
0xa0: {  	_ =	swait.ge [sflag:s23], s21  }
0xa1: {  	s6 =	ssub.s32 $0x0, s21;
	[sflag:s23] =	ssyncset.done $0x0  }
0xa2: {  	[sflag:s23] =	ssyncadd.s32 s6;
	_ =	sdelay $0x1  }
0xa3: {  	s24 =	simm.s32 $0x1B8B  }
0xa4: {  	_ =	swait.ge [sflag:s24], $0x1  }
0xa5: {  	[sflag:s24] =	ssyncset.done $0x0  }
0xa6: {  	s25 =	simm.s32 $0x1B8E;
	[sflag:s24] =	ssyncadd.s32 $0xFFFFFFFF  }
0xa7: {  	s26 =	simm.s32 $execute0_lowered;
	[smem:$0x3FD2] =	sst s25  }
0xa8: {  	s6 =	sshll.u32 s26, $0x1;
	_ =	strace $0x80000046;
	[dreg:$0x1] =	wrdreg $0xFFFFFFFF  }
0xa9: {  	s28 =	simm.s32 $_size_execute0_lowered;
	s5 =	sadd.s32 s5, s6;
	[dreg:$0x0] =	wrdreg $0x0  }
0xaa: {  	s6 =	sshll.u32 s28, $0x1;
	[dreg:$0x2] =	wrdreg s5  }
0xab: {  	[dreg:$0x3] =	wrdreg s6  }
0xac: {  	[dreg:$0x4] =	wrdreg $0xC0  }
0xad: {  	_ =	task [dreg:s9], $0x5FFFF  }
0xae: {  	[dreg:$0x1] =	wrdreg $0xFFFFFFFF  }
0xaf: {  	[dreg:$0x0] =	wrdreg $0x60  }
0xb0: {  	[dreg:$0x2] =	wrdreg s2  }
0xb1: {  	[dreg:$0x3] =	wrdreg s19  }
0xb2: {  	[dreg:$0x4] =	wrdreg s4  }
0xb3: {  	[dreg:$0x5] =	wrdreg $0x9  }
0xb4: {  	_ =	task.clear_ibuf [dreg:s9], $0x6FFFF;
	_ =	strace $0x90000046  }
0xb5: {  	s29 =	simm.s32 $0x9;
	_ =	strace $0x80000048  }
0xb6: {  	_ =	swait.ge [sflag:s29], $0x1  }
0xb7: {  	[sflag:s29] =	ssyncadd.s32 $0xFFFFFFFF  }
0xb8: {  	_ =	strace $0x90000048  }
0xb9: {  	_ =	sfence  }
0xba: {  	s30 =	sld [smem:$0x0];
	_ =	sdelay $0x2  }
0xbb: {  	s31 =	sshll.u32 s1, $0xD;
	s1 =	sshrl.u32 s1, $0x2  }
0xbc: {  	s3 =	sand.u32 $0x4000, s31;
	s1 =	sadd.s32 s1, s30  }
0xbd: {  	s0 =	sor.u32 s3, s0;
	s1 =	sshll.u32 s1, $0x11  }
0xbe: {  	s0 =	sor.u32 s1, s0  }
0xbf: {  	s0 =	sadd.s32 $0x8F2B, s0  }
0xc0: {  	[sflag:s0] =	ssyncadd.remote.s32 $0x1  }
0xc1: {  	_ =	sfence.sel $0xFFFF  }
0xc2: {  	[dreg:$0x0] =	wrdreg $0xFFFFFFFF;
	(pc) =	sbr.abs _section_cstart, $3  }
0xc3: {  	[dreg:$0x1] =	wrdreg $0xFFFFFFFF  }
0xc4: {  	_ =	task.clear_ibuf [dreg:s9], $0x2FFFF;
	_ =	strace $0x9FFFFFFF  }
0xc5: {  	(tm) =	ssettm $0x7FFFFFFF  }
tec
execute0_lowered:
.L_overlay_start_1:
0x0: {  	(tag) =	ssettag $0x1  }
0x1: {  	s1 =	rddreg [dreg:$0x0]  }
0x2: {  	s2 =	rddreg [dreg:$0x1]  }
0x3: {  	s0 =	srdreg.scid;
	s3 =	rddreg [dreg:$0x2];
	s5 =	simm.s32 $0x0  }
0x4: {  	s4 =	stileid.u32;
	s10 =	simm.s32 $0x1;
	s11 =	simm.s32 $0x8C80  }
0x5: {  	s12 =	simm.s32 $0x11900;
	s13 =	simm.s32 $0x1A580;
	s14 =	simm.s32 $0x1AA80  }
0x6: {  	s15 =	simm.s32 $0x1AF80;
	s16 =	simm.s32 $0x1B480;
	s17 =	simm.s32 $0x1B980  }
0x7: {  	s18 =	simm.s32 $0x1BE80;
	s6 =	sand.u32 $0x1, s0;
	s0 =	rddreg [dreg:$0x3]  }
0x8: {  	s19 =	simm.s32 $0x0;
	[smem:$0x7FF] =	sst s5;
	s7 =	ssub.s32 $0x2, s6  }
0x9: {  	s30 =	sshll.u32 s4, $0x1;
	_ =	strace $0x80000047;
	s8 =	sshrl.u32 s7, $0x1  }
0xa: {  	s31 =	sor.u32 s6, s30;
	s6 =	sadd.s32 $0x118D, s2;
	s9 =	ssub.s32 s7, s8  }
0xb: {  	v0 =	vimm.s32 $0x0;
	s7 =	sadd.s32 $0x231A, s2;
	s8 =	smul.u32 $0x3F480, s31;
	s9 =	smax.u32 s9, $0x1  }
.LBB2_1:
0xc: {  	[tilespmem:s5], [sflag:$0x1] =	stream.linear.gather [hbm4b:s2+s5], $0x8C68, $0x38;
	[tilespmem:$0x1C380] =	vst v63  }
0xd: {  	_ =	swait.ge [sflag:s10], $0x8C68  }
0xe: {  	[sflag:s10] =	ssyncset.done $0x0  }
0xf: {  	[sflag:s10] =	ssyncadd.s32 $0xFFFF7398  }
0x10: {  	[tilespmem:s11], [sflag:$0x1] =	stream.linear.gather [hbm4b:s6+s5], $0x8C68, $0x38;
	[tilespmem:$0x1C380] =	vst v63  }
0x11: {  	_ =	swait.ge [sflag:s10], $0x8C68  }
0x12: {  	[sflag:s10] =	ssyncset.done $0x0  }
0x13: {  	[sflag:s10] =	ssyncadd.s32 $0xFFFF7398  }
0x14: {  	[tilespmem:s12], [sflag:$0x1] =	stream.linear.gather [hbm4b:s7+s5], $0x8C68, $0x38;
	[tilespmem:$0x1C380] =	vst v63  }
0x15: {  	_ =	swait.ge [sflag:s10], $0x8C68  }
0x16: {  	[sflag:s10] =	ssyncset.done $0x0  }
0x17: {  	s20 =	simm.s32 $0x0;
	[sflag:s10] =	ssyncadd.s32 $0xFFFF7398  }
.LBB2_2:
0x18: {  	s21 =	smul.u32 $0x4B0, s20;
	_ =	sdelay $0x1  }
0x19: {  	s21 =	sadd.s32 s8, s21  }
0x1a: {  	s21 =	sshrl.u32 s21, $0x3  }
0x1b: {  	s24 =	simm.s32 $0x0;
	s22 =	sadd.s32 s1, s21  }
0x1c: {  	[tilespmem:s13], [sflag:$0x1] =	stream.linear.gather [hbm4b:s22+s24], $0x4B0, $0x38;
	[tilespmem:$0x1C380] =	vst v63  }
0x1d: {  	_ =	swait.ge [sflag:s10], $0x4B0  }
0x1e: {  	s22 =	sadd.s32 $0xFD200, s21;
	[sflag:s10] =	ssyncset.done $0x0  }
0x1f: {  	s23 =	sadd.s32 s1, s22;
	[sflag:s10] =	ssyncadd.s32 $0xFFFFFB50  }
0x20: {  	[tilespmem:s14], [sflag:$0x1] =	stream.linear.gather [hbm4b:s23+s24], $0x4B0, $0x38;
	[tilespmem:$0x1C380] =	vst v63  }
0x21: {  	_ =	swait.ge [sflag:s10], $0x4B0  }
0x22: {  	s23 =	sadd.s32 $0x1FA400, s21;
	[sflag:s10] =	ssyncset.done $0x0  }
0x23: {  	s25 =	sadd.s32 s1, s23;
	[sflag:s10] =	ssyncadd.s32 $0xFFFFFB50  }
0x24: {  	[tilespmem:s15], [sflag:$0x1] =	stream.linear.gather [hbm4b:s25+s24], $0x4B0, $0x38;
	[tilespmem:$0x1C380] =	vst v63  }
0x25: {  	_ =	swait.ge [sflag:s10], $0x4B0  }
0x26: {  	[sflag:s10] =	ssyncset.done $0x0  }
0x27: {  	s24 =	simm.s32 $0x0;
	[sflag:s10] =	ssyncadd.s32 $0xFFFFFB50  }
0x28: {  	v1 =	vld [tilespmem:s24+$0x1AF80];
	_ =	sdelay $0x1  }
0x29: {  	v2 =	vld [tilespmem:s24+$0x1AA80];
	_ =	sdelay $0x2  }
0x2a: {  	v3 =	vld [tilespmem:s24+$0x1A580];
	v1 =	vmul.f32 $3.200000000e+01, v1;
	_ =	sdelay $0x1  }
0x2b: {  	v2 =	vmul.f32 $3.200000000e+01, v2;
	v1 =	vmax.f32 v1, $0.0e+00  }
0x2c: {  	v1 =	vmin.f32 v1, $3.200000000e+01  }
0x2d: {  	v2 =	vmax.f32 v2, $0.0e+00;
	v4 =	vtrunc.f32 v1  }
0x2e: {  	v3 =	vmul.f32 $3.200000000e+01, v3;
	v5 =	vmin.f32 v2, $3.200000000e+01;
	v4 =	vcvt.f32.s32 v4  }
0x2f: {  	v2 =	vtrunc.f32 v5  }
0x30: {  	v3 =	vmax.f32 v3, $0.0e+00;
	v6 =	vcvt.f32.s32 v2;
	v2 =	vmul.u32 $0x21, v4  }
0x31: {  	v3 =	vmin.f32 v3, $3.200000000e+01  }
0x32: {  	v7 =	vtrunc.f32 v3;
	v2 =	vadd.s32 v6, v2  }
0x33: {  	v7 =	vcvt.f32.s32 v7;
	v2 =	vmul.u32 $0x21, v2  }
0x34: {  	vm0 =	vlt.s32 v4, $0x20  }
0x35: {  	vm1 =	vlt.s32 v6, $0x20;
	v8 =	vsel vm0, $0x441, v0;
	v9 =	vadd.s32 v7, v2  }
0x36: {  	v2 =	vsel vm1, $0x21, v0;
	v10 =	vadd.s32 v8, v9  }
0x37: {  	vm15 =	vlt.s32 v7, $0x20;
	v16 =	vadd.s32 v2, v9  }
0x38: {  	v8 =	vsel vm15, $0x1, v0;
	v11 =	vadd.s32 v2, v10  }
0x39: {  	v13 =	vadd.s32 v8, v9  }
0x3a: {  	v14 =	vadd.s32 v8, v10;
	v19 =	vld.idx.msk [tilespmem:v9+s5+$0x0], $0xffff  }
0x3b: {  	v18 =	vadd.s32 v8, v16;
	v15 =	vld.idx.msk [tilespmem:v10+s5+$0x0], $0xffff  }
0x3c: {  	v12 =	vadd.s32 v8, v11;
	v22 =	vld.idx.msk [tilespmem:v16+s5+$0x0], $0xffff  }
0x3d: {  	v17 =	vld.idx.msk [tilespmem:v11+s5+$0x0], $0xffff  }
0x3e: {  	v20 =	vld.idx.msk [tilespmem:v13+s5+$0x0], $0xffff  }
0x3f: {  	v21 =	vld.idx.msk [tilespmem:v14+s5+$0x0], $0xffff  }
0x40: {  	v23 =	vld.idx.msk [tilespmem:v18+s5+$0x0], $0xffff  }
0x41: {  	v8 =	vld.idx.msk [tilespmem:v12+s5+$0x0], $0xffff  }
0x42: {  	v2 =	vcvt.s32.f32 v7;
	_ =	sdelay $0x1  }
0x43: {  	v2 =	vsub.f32 v3, v2  }
0x44: {  	v7 =	vsub.f32 v20, v19;
	v61 =	vsub.f32 v21, v15  }
0x45: {  	v3 =	vsub.f32 v8, v17;
	v8 =	vsub.f32 v23, v22  }
0x46: {  	v7 =	vmul.f32 v2, v7;
	v20 =	vmul.f32 v61, v2  }
0x47: {  	v3 =	vmul.f32 v3, v2;
	v8 =	vmul.f32 v8, v2  }
0x48: {  	v6 =	vcvt.s32.f32 v6;
	v7 =	vadd.f32 v7, v19;
	v15 =	vadd.f32 v20, v15  }
0x49: {  	v17 =	vadd.f32 v3, v17;
	v8 =	vadd.f32 v8, v22  }
0x4a: {  	v3 =	vsub.f32 v5, v6  }
0x4b: {  	v5 =	vsub.f32 v8, v7;
	v6 =	vsub.f32 v17, v15;
	_ =	sdelay $0x1  }
0x4c: {  	v5 =	vmul.f32 v5, v3;
	v6 =	vmul.f32 v6, v3;
	_ =	sdelay $0x1  }
0x4d: {  	v4 =	vcvt.s32.f32 v4;
	v5 =	vadd.f32 v5, v7;
	v6 =	vadd.f32 v6, v15;
	_ =	sdelay $0x1  }
0x4e: {  	v1 =	vsub.f32 v1, v4;
	v4 =	vsub.f32 v6, v5;
	_ =	sdelay $0x1  }
0x4f: {  	v4 =	vmul.f32 v4, v1;
	_ =	sdelay $0x1  }
0x50: {  	v4 =	vadd.f32 v4, v5;
	_ =	sdelay $0x1  }
0x51: {  	v4 =	vmax.f32 v4, $0.0e+00  }
0x52: {  	v4 =	vmin.f32 v4, $1.000000000e+00  }
0x53: {  	[tilespmem:s24+$0x1B480] =	vst v4  }
0x54: {  	v4 =	vld.idx.msk [tilespmem:v12+s11+$0x0], $0xffff  }
0x55: {  	v5 =	vld.idx.msk [tilespmem:v18+s11+$0x0], $0xffff  }
0x56: {  	v6 =	vld.idx.msk [tilespmem:v14+s11+$0x0], $0xffff  }
0x57: {  	v7 =	vld.idx.msk [tilespmem:v13+s11+$0x0], $0xffff  }
0x58: {  	v8 =	vld.idx.msk [tilespmem:v16+s11+$0x0], $0xffff  }
0x59: {  	v15 =	vld.idx.msk [tilespmem:v11+s11+$0x0], $0xffff  }
0x5a: {  	v62 =	vld.idx.msk [tilespmem:v10+s11+$0x0], $0xffff  }
0x5b: {  	v63 =	vld.idx.msk [tilespmem:v9+s11+$0x0], $0xffff;
	_ =	sdelay $0x3  }
0x5c: {  	v4 =	vsub.f32 v4, v15;
	v6 =	vsub.f32 v6, v62  }
0x5d: {  	v5 =	vsub.f32 v5, v8;
	v7 =	vsub.f32 v7, v63  }
0x5e: {  	v6 =	vmul.f32 v6, v2;
	v4 =	vmul.f32 v4, v2  }
0x5f: {  	v7 =	vmul.f32 v7, v2;
	v5 =	vmul.f32 v5, v2  }
0x60: {  	v6 =	vadd.f32 v6, v62;
	v4 =	vadd.f32 v4, v15  }
0x61: {  	v7 =	vadd.f32 v7, v63;
	v5 =	vadd.f32 v5, v8;
	_ =	sdelay $0x1  }
0x62: {  	v4 =	vsub.f32 v4, v6;
	v5 =	vsub.f32 v5, v7;
	_ =	sdelay $0x1  }
0x63: {  	v5 =	vmul.f32 v5, v3;
	v4 =	vmul.f32 v4, v3;
	_ =	sdelay $0x1  }
0x64: {  	v5 =	vadd.f32 v5, v7;
	v4 =	vadd.f32 v4, v6;
	_ =	sdelay $0x1  }
0x65: {  	v4 =	vsub.f32 v4, v5;
	_ =	sdelay $0x1  }
0x66: {  	v4 =	vmul.f32 v4, v1;
	_ =	sdelay $0x1  }
0x67: {  	v4 =	vadd.f32 v4, v5;
	_ =	sdelay $0x1  }
0x68: {  	v4 =	vmax.f32 v4, $0.0e+00  }
0x69: {  	v4 =	vmin.f32 v4, $1.000000000e+00  }
0x6a: {  	[tilespmem:s24+$0x1B980] =	vst v4  }
0x6b: {  	v5 =	vld.idx.msk [tilespmem:v12+s12+$0x0], $0xffff  }
0x6c: {  	v7 =	vld.idx.msk [tilespmem:v13+s12+$0x0], $0xffff  }
0x6d: {  	v8 =	vld.idx.msk [tilespmem:v16+s12+$0x0], $0xffff  }
0x6e: {  	v13 =	vld.idx.msk [tilespmem:v11+s12+$0x0], $0xffff  }
0x6f: {  	v12 =	vld.idx.msk [tilespmem:v14+s12+$0x0], $0xffff  }
0x70: {  	v6 =	vld.idx.msk [tilespmem:v9+s12+$0x0], $0xffff  }
0x71: {  	v9 =	vld.idx.msk [tilespmem:v18+s12+$0x0], $0xffff  }
0x72: {  	v4 =	vld.idx.msk [tilespmem:v10+s12+$0x0], $0xffff  }
0x73: {  	v5 =	vsub.f32 v5, v13;
	_ =	sdelay $0x1  }
0x74: {  	s26 =	simm.s32 $0x10;
	v11 =	vsub.f32 v7, v6;
	v5 =	vmul.f32 v5, v2  }
0x75: {  	v7 =	vld [tilespmem:s26+$0x1AF80];
	v10 =	vsub.f32 v9, v8  }
0x76: {  	s25 =	simm.s32 $0x80;
	v9 =	vld [tilespmem:s26+$0x1AA80];
	v12 =	vsub.f32 v12, v4;
	v11 =	vmul.f32 v11, v2;
	v5 =	vadd.f32 v5, v13  }
.LBB2_3:
0x77: {  	p0 =	sne.s32 s25, $0x1280;
	v13 =	vld [tilespmem:s26+$0x1A580];
	v10 =	vmul.f32 v10, v2;
	s28 =	smov.u32 s25;
	s25 =	sadd.s32 $0x40, s25  }
0x78: {  	v6 =	vadd.f32 v11, v6;
	v2 =	vmul.f32 v12, v2  }
0x79: {  	v8 =	vadd.f32 v10, v8  }
0x7a: {  	v7 =	vmul.f32 $3.200000000e+01, v7;
	v2 =	vadd.f32 v2, v4  }
0x7b: {  	v4 =	vmul.f32 $3.200000000e+01, v9;
	v8 =	vsub.f32 v8, v6  }
0x7c: {  	v9 =	vmul.f32 $3.200000000e+01, v13;
	v7 =	vmax.f32 v7, $0.0e+00;
	v5 =	vsub.f32 v5, v2  }
0x7d: {  	v4 =	vmax.f32 v4, $0.0e+00;
	v12 =	vmin.f32 v7, $3.200000000e+01;
	v7 =	vmul.f32 v8, v3  }
0x7e: {  	v13 =	vmin.f32 v4, $3.200000000e+01;
	v4 =	vtrunc.f32 v12;
	v3 =	vmul.f32 v5, v3  }
0x7f: {  	v5 =	vmax.f32 v9, $0.0e+00;
	v4 =	vcvt.f32.s32 v4;
	v6 =	vadd.f32 v7, v6  }
0x80: {  	v14 =	vmin.f32 v5, $3.200000000e+01;
	v5 =	vtrunc.f32 v13;
	v2 =	vadd.f32 v3, v2  }
0x81: {  	v3 =	vcvt.f32.s32 v5;
	v15 =	vcvt.s32.f32 v4;
	v5 =	vmul.u32 $0x21, v4  }
0x82: {  	v7 =	vtrunc.f32 v14;
	v2 =	vsub.f32 v2, v6  }
0x83: {  	v7 =	vcvt.f32.s32 v7;
	vm0 =	vlt.s32 v3, $0x20;
	v5 =	vadd.s32 v3, v5  }
0x84: {  	vm1 =	vlt.s32 v4, $0x20;
	v4 =	vmul.u32 $0x21, v5;
	v1 =	vmul.f32 v2, v1  }
0x85: {  	v3 =	vcvt.s32.f32 v3;
	v2 =	vcvt.s32.f32 v7;
	v5 =	vsel vm1, $0x441, v0  }
0x86: {  	v9 =	vsel vm0, $0x21, v0;
	v4 =	vadd.s32 v7, v4;
	v1 =	vadd.f32 v1, v6  }
0x87: {  	vm0 =	vlt.s32 v7, $0x20;
	v5 =	vadd.s32 v5, v4  }
0x88: {  	v16 =	vsel vm0, $0x1, v0;
	v6 =	vadd.s32 v9, v5;
	v1 =	vmax.f32 v1, $0.0e+00  }
0x89: {  	v7 =	vadd.s32 v16, v5;
	v8 =	vadd.s32 v16, v6;
	v1 =	vmin.f32 v1, $1.000000000e+00  }
0x8a: {  	[tilespmem:s24+$0x1BE80] =	vst v1;
	s24 =	smov.u32 s26  }
0x8b: {  	v10 =	vadd.s32 v16, v4  }
0x8c: {  	v1 =	vld.idx.msk [tilespmem:v5+s5+$0x0], $0xffff  }
0x8d: {  	v11 =	vadd.s32 v9, v4;
	v17 =	vld.idx.msk [tilespmem:v6+s5+$0x0], $0xffff  }
0x8e: {  	v9 =	vadd.s32 v16, v11;
	v16 =	vld.idx.msk [tilespmem:v8+s5+$0x0], $0xffff  }
0x8f: {  	v18 =	vld.idx.msk [tilespmem:v4+s5+$0x0], $0xffff  }
0x90: {  	v19 =	vld.idx.msk [tilespmem:v10+s5+$0x0], $0xffff  }
0x91: {  	v20 =	vld.idx.msk [tilespmem:v7+s5+$0x0], $0xffff  }
0x92: {  	v21 =	vld.idx.msk [tilespmem:v11+s5+$0x0], $0xffff  }
0x93: {  	v22 =	vld.idx.msk [tilespmem:v9+s5+$0x0], $0xffff  }
0x94: {  	v2 =	vsub.f32 v14, v2;
	v14 =	vsub.f32 v16, v17;
	_ =	sdelay $0x1  }
0x95: {  	v14 =	vmul.f32 v14, v2;
	_ =	sdelay $0x1  }
0x96: {  	v16 =	vsub.f32 v19, v18;
	v14 =	vadd.f32 v14, v17  }
0x97: {  	v19 =	vsub.f32 v20, v1;
	v17 =	vsub.f32 v22, v21  }
0x98: {  	v16 =	vmul.f32 v2, v16  }
0x99: {  	v19 =	vmul.f32 v19, v2;
	v17 =	vmul.f32 v17, v2  }
0x9a: {  	v16 =	vadd.f32 v16, v18  }
0x9b: {  	v1 =	vadd.f32 v19, v1;
	v17 =	vadd.f32 v17, v21  }
0x9c: {  	v3 =	vsub.f32 v13, v3  }
0x9d: {  	v14 =	vsub.f32 v14, v1;
	v13 =	vsub.f32 v17, v16;
	_ =	sdelay $0x1  }
0x9e: {  	v14 =	vmul.f32 v14, v3;
	v13 =	vmul.f32 v13, v3;
	_ =	sdelay $0x1  }
0x9f: {  	v14 =	vadd.f32 v14, v1;
	v13 =	vadd.f32 v13, v16;
	_ =	sdelay $0x1  }
0xa0: {  	v1 =	vsub.f32 v12, v15;
	v12 =	vsub.f32 v14, v13;
	_ =	sdelay $0x1  }
0xa1: {  	v12 =	vmul.f32 v12, v1;
	_ =	sdelay $0x1  }
0xa2: {  	v12 =	vadd.f32 v12, v13;
	_ =	sdelay $0x1  }
0xa3: {  	v12 =	vmax.f32 v12, $0.0e+00  }
0xa4: {  	v12 =	vmin.f32 v12, $1.000000000e+00  }
0xa5: {  	[tilespmem:s24+$0x1B480] =	vst v12  }
0xa6: {  	v12 =	vld.idx.msk [tilespmem:v8+s11+$0x0], $0xffff  }
0xa7: {  	v13 =	vld.idx.msk [tilespmem:v9+s11+$0x0], $0xffff  }
0xa8: {  	v14 =	vld.idx.msk [tilespmem:v7+s11+$0x0], $0xffff  }
0xa9: {  	v15 =	vld.idx.msk [tilespmem:v10+s11+$0x0], $0xffff  }
0xaa: {  	v16 =	vld.idx.msk [tilespmem:v11+s11+$0x0], $0xffff  }
0xab: {  	v17 =	vld.idx.msk [tilespmem:v6+s11+$0x0], $0xffff  }
0xac: {  	v18 =	vld.idx.msk [tilespmem:v5+s11+$0x0], $0xffff  }
0xad: {  	v19 =	vld.idx.msk [tilespmem:v4+s11+$0x0], $0xffff;
	_ =	sdelay $0x2  }
0xae: {  	v13 =	vsub.f32 v13, v16  }
0xaf: {  	v12 =	vsub.f32 v12, v17  }
0xb0: {  	v14 =	vsub.f32 v14, v18  }
0xb1: {  	v15 =	vsub.f32 v15, v19  }
0xb2: {  	v12 =	vmul.f32 v12, v2;
	v14 =	vmul.f32 v14, v2  }
0xb3: {  	v13 =	vmul.f32 v13, v2;
	v15 =	vmul.f32 v15, v2  }
0xb4: {  	v12 =	vadd.f32 v12, v17;
	v14 =	vadd.f32 v14, v18  }
0xb5: {  	v13 =	vadd.f32 v13, v16;
	v15 =	vadd.f32 v15, v19  }
0xb6: {  	v12 =	vsub.f32 v12, v14  }
0xb7: {  	v13 =	vsub.f32 v13, v15;
	_ =	sdelay $0x1  }
0xb8: {  	v12 =	vmul.f32 v12, v3;
	v13 =	vmul.f32 v13, v3;
	_ =	sdelay $0x1  }
0xb9: {  	v12 =	vadd.f32 v12, v14;
	v13 =	vadd.f32 v13, v15;
	_ =	sdelay $0x1  }
0xba: {  	v12 =	vsub.f32 v12, v13;
	_ =	sdelay $0x1  }
0xbb: {  	v12 =	vmul.f32 v12, v1;
	_ =	sdelay $0x1  }
0xbc: {  	v12 =	vadd.f32 v12, v13;
	_ =	sdelay $0x1  }
0xbd: {  	v12 =	vmax.f32 v12, $0.0e+00  }
0xbe: {  	v12 =	vmin.f32 v12, $1.000000000e+00  }
0xbf: {  	[tilespmem:s24+$0x1B980] =	vst v12  }
0xc0: {  	v12 =	vld.idx.msk [tilespmem:v8+s12+$0x0], $0xffff  }
0xc1: {  	v10 =	vld.idx.msk [tilespmem:v10+s12+$0x0], $0xffff  }
0xc2: {  	v8 =	vld.idx.msk [tilespmem:v11+s12+$0x0], $0xffff  }
0xc3: {  	v13 =	vld.idx.msk [tilespmem:v6+s12+$0x0], $0xffff  }
0xc4: {  	v14 =	vld.idx.msk [tilespmem:v7+s12+$0x0], $0xffff  }
0xc5: {  	v6 =	vld.idx.msk [tilespmem:v4+s12+$0x0], $0xffff  }
0xc6: {  	v9 =	vld.idx.msk [tilespmem:v9+s12+$0x0], $0xffff  }
0xc7: {  	v4 =	vld.idx.msk [tilespmem:v5+s12+$0x0], $0xffff;
	_ =	sdelay $0x1  }
.Ltmp0:
0xc8: {  	v5 =	vsub.f32 v12, v13;
	(pc) =	sbr.rel @p0 .LBB2_3-.Ltmp0, $4  }
0xc9: {  	_ = 	snop  }
0xca: {  	s26 =	sshra.s32 s28, $0x2;
	v11 =	vsub.f32 v10, v6;
	v5 =	vmul.f32 v5, v2  }
0xcb: {  	v10 =	vsub.f32 v9, v8;
	v7 =	vld [tilespmem:s26+$0x1AF80]  }
0xcc: {  	v11 =	vmul.f32 v11, v2;
	v12 =	vsub.f32 v14, v4;
	v5 =	vadd.f32 v5, v13;
	v9 =	vld [tilespmem:s26+$0x1AA80]  }
0xcd: {  	v10 =	vmul.f32 v10, v2  }
0xce: {  	v2 =	vmul.f32 v12, v2  }
0xcf: {  	v6 =	vadd.f32 v11, v6;
	v8 =	vadd.f32 v10, v8  }
0xd0: {  	v13 =	vld [tilespmem:s26+$0x1A580];
	v7 =	vmul.f32 $3.200000000e+01, v7;
	v2 =	vadd.f32 v2, v4  }
0xd1: {  	v8 =	vsub.f32 v8, v6  }
0xd2: {  	v36 =	vmul.f32 $3.200000000e+01, v9;
	v7 =	vmax.f32 v7, $0.0e+00;
	v5 =	vsub.f32 v5, v2  }
0xd3: {  	v7 =	vmin.f32 v7, $3.200000000e+01;
	v8 =	vmul.f32 v8, v3  }
0xd4: {  	v4 =	vmax.f32 v36, $0.0e+00;
	v38 =	vtrunc.f32 v7;
	v3 =	vmul.f32 v5, v3  }
0xd5: {  	v37 =	vmul.f32 $3.200000000e+01, v13;
	v4 =	vmin.f32 v4, $3.200000000e+01;
	v39 =	vcvt.f32.s32 v38  }
0xd6: {  	v6 =	vadd.f32 v8, v6;
	v40 =	vtrunc.f32 v4;
	v2 =	vadd.f32 v3, v2  }
0xd7: {  	v9 =	vmax.f32 v37, $0.0e+00;
	v3 =	vcvt.f32.s32 v40;
	v41 =	vmul.u32 $0x21, v39  }
0xd8: {  	v9 =	vmin.f32 v9, $3.200000000e+01;
	v2 =	vsub.f32 v2, v6  }
0xd9: {  	v42 =	vtrunc.f32 v9;
	v8 =	vadd.s32 v3, v41  }
0xda: {  	v10 =	vcvt.f32.s32 v42;
	v8 =	vmul.u32 $0x21, v8;
	v1 =	vmul.f32 v2, v1  }
0xdb: {  	vm1 =	vlt.s32 v39, $0x20;
	vm0 =	vlt.s32 v3, $0x20  }
0xdc: {  	v2 =	vsel vm1, $0x441, v0;
	v8 =	vadd.s32 v10, v8;
	v1 =	vadd.f32 v1, v6  }
0xdd: {  	v43 =	vsel vm0, $0x21, v0;
	v2 =	vadd.s32 v2, v8  }
0xde: {  	vm15 =	vlt.s32 v10, $0x20;
	v11 =	vadd.s32 v43, v8;
	v1 =	vmax.f32 v1, $0.0e+00  }
0xdf: {  	v44 =	vsel vm15, $0x1, v0;
	v45 =	vadd.s32 v43, v2;
	v1 =	vmin.f32 v1, $1.000000000e+00  }
0xe0: {  	v14 =	vadd.s32 v44, v2;
	[tilespmem:s24+$0x1BE80] =	vst v1  }
0xe1: {  	v6 =	vadd.s32 v44, v11;
	v18 =	vld.idx.msk [tilespmem:v8+s5+$0x0], $0xffff  }
0xe2: {  	v46 =	vadd.s32 v44, v45;
	v15 =	vld.idx.msk [tilespmem:v2+s5+$0x0], $0xffff  }
0xe3: {  	v1 =	vadd.s32 v44, v8;
	v21 =	vld.idx.msk [tilespmem:v11+s5+$0x0], $0xffff  }
0xe4: {  	v16 =	vld.idx.msk [tilespmem:v45+s5+$0x0], $0xffff  }
0xe5: {  	v20 =	vld.idx.msk [tilespmem:v14+s5+$0x0], $0xffff  }
0xe6: {  	v22 =	vld.idx.msk [tilespmem:v6+s5+$0x0], $0xffff  }
0xe7: {  	v17 =	vld.idx.msk [tilespmem:v46+s5+$0x0], $0xffff  }
0xe8: {  	v19 =	vld.idx.msk [tilespmem:v1+s5+$0x0], $0xffff  }
0xe9: {  	v10 =	vcvt.s32.f32 v10;
	_ =	sdelay $0x1  }
0xea: {  	v9 =	vsub.f32 v9, v10  }
0xeb: {  	v49 =	vsub.f32 v22, v21;
	v20 =	vsub.f32 v20, v15  }
0xec: {  	v47 =	vsub.f32 v17, v16;
	v48 =	vsub.f32 v19, v18  }
0xed: {  	v19 =	vmul.f32 v49, v9;
	v20 =	vmul.f32 v20, v9  }
0xee: {  	v10 =	vmul.f32 v47, v9;
	v17 =	vmul.f32 v9, v48  }
0xef: {  	v3 =	vcvt.s32.f32 v3;
	v51 =	vadd.f32 v19, v21;
	v15 =	vadd.f32 v20, v15  }
0xf0: {  	v10 =	vadd.f32 v10, v16;
	v50 =	vadd.f32 v17, v18  }
0xf1: {  	v3 =	vsub.f32 v4, v3  }
0xf2: {  	v10 =	vsub.f32 v10, v15;
	v52 =	vsub.f32 v51, v50;
	_ =	sdelay $0x1  }
0xf3: {  	v10 =	vmul.f32 v10, v3;
	v4 =	vmul.f32 v52, v3;
	_ =	sdelay $0x1  }
0xf4: {  	v5 =	vcvt.s32.f32 v39;
	v10 =	vadd.f32 v10, v15;
	v4 =	vadd.f32 v4, v50;
	_ =	sdelay $0x1  }
0xf5: {  	v5 =	vsub.f32 v7, v5;
	v53 =	vsub.f32 v10, v4;
	_ =	sdelay $0x1  }
0xf6: {  	v7 =	vmul.f32 v53, v5;
	_ =	sdelay $0x1  }
0xf7: {  	v4 =	vadd.f32 v7, v4;
	_ =	sdelay $0x1  }
0xf8: {  	v4 =	vmax.f32 v4, $0.0e+00  }
0xf9: {  	v4 =	vmin.f32 v4, $1.000000000e+00  }
0xfa: {  	[tilespmem:s26+$0x1B480] =	vst v4  }
0xfb: {  	v4 =	vld.idx.msk [tilespmem:v46+s11+$0x0], $0xffff  }
0xfc: {  	v54 =	vld.idx.msk [tilespmem:v6+s11+$0x0], $0xffff  }
0xfd: {  	v55 =	vld.idx.msk [tilespmem:v14+s11+$0x0], $0xffff  }
0xfe: {  	v56 =	vld.idx.msk [tilespmem:v1+s11+$0x0], $0xffff  }
0xff: {  	v57 =	vld.idx.msk [tilespmem:v11+s11+$0x0], $0xffff  }
0x100: {  	v58 =	vld.idx.msk [tilespmem:v45+s11+$0x0], $0xffff  }
0x101: {  	v59 =	vld.idx.msk [tilespmem:v2+s11+$0x0], $0xffff  }
0x102: {  	v60 =	vld.idx.msk [tilespmem:v8+s11+$0x0], $0xffff;
	_ =	sdelay $0x3  }
0x103: {  	v4 =	vsub.f32 v4, v58;
	v10 =	vsub.f32 v55, v59  }
0x104: {  	v7 =	vsub.f32 v54, v57;
	v15 =	vsub.f32 v56, v60  }
0x105: {  	v10 =	vmul.f32 v10, v9;
	v4 =	vmul.f32 v4, v9  }
0x106: {  	v15 =	vmul.f32 v15, v9;
	v7 =	vmul.f32 v7, v9  }
0x107: {  	v10 =	vadd.f32 v10, v59;
	v4 =	vadd.f32 v4, v58  }
0x108: {  	v15 =	vadd.f32 v15, v60;
	v7 =	vadd.f32 v7, v57;
	_ =	sdelay $0x1  }
0x109: {  	v4 =	vsub.f32 v4, v10;
	v7 =	vsub.f32 v7, v15;
	_ =	sdelay $0x1  }
0x10a: {  	v7 =	vmul.f32 v7, v3;
	v4 =	vmul.f32 v4, v3;
	_ =	sdelay $0x1  }
0x10b: {  	v7 =	vadd.f32 v7, v15;
	v4 =	vadd.f32 v4, v10;
	_ =	sdelay $0x1  }
0x10c: {  	v4 =	vsub.f32 v4, v7;
	_ =	sdelay $0x1  }
0x10d: {  	v4 =	vmul.f32 v4, v5;
	_ =	sdelay $0x1  }
0x10e: {  	v4 =	vadd.f32 v4, v7;
	_ =	sdelay $0x1  }
0x10f: {  	v4 =	vmax.f32 v4, $0.0e+00  }
0x110: {  	v4 =	vmin.f32 v4, $1.000000000e+00  }
0x111: {  	[tilespmem:s26+$0x1B980] =	vst v4  }
0x112: {  	v4 =	vld.idx.msk [tilespmem:v46+s12+$0x0], $0xffff  }
0x113: {  	v1 =	vld.idx.msk [tilespmem:v1+s12+$0x0], $0xffff  }
0x114: {  	v61 =	vld.idx.msk [tilespmem:v11+s12+$0x0], $0xffff  }
0x115: {  	v62 =	vld.idx.msk [tilespmem:v45+s12+$0x0], $0xffff  }
0x116: {  	v63 =	vld.idx.msk [tilespmem:v14+s12+$0x0], $0xffff  }
0x117: {  	v8 =	vld.idx.msk [tilespmem:v8+s12+$0x0], $0xffff  }
0x118: {  	v6 =	vld.idx.msk [tilespmem:v6+s12+$0x0], $0xffff  }
0x119: {  	v2 =	vld.idx.msk [tilespmem:v2+s12+$0x0], $0xffff;
	_ =	sdelay $0x3  }
0x11a: {  	v4 =	vsub.f32 v4, v62;
	v1 =	vsub.f32 v1, v8  }
0x11b: {  	v6 =	vsub.f32 v6, v61;
	v11 =	vsub.f32 v63, v2  }
0x11c: {  	v4 =	vmul.f32 v4, v9;
	v1 =	vmul.f32 v1, v9  }
0x11d: {  	v6 =	vmul.f32 v6, v9;
	v9 =	vmul.f32 v11, v9  }
0x11e: {  	v4 =	vadd.f32 v4, v62;
	v1 =	vadd.f32 v1, v8  }
0x11f: {  	v6 =	vadd.f32 v6, v61;
	v2 =	vadd.f32 v9, v2;
	_ =	sdelay $0x1  }
0x120: {  	v6 =	vsub.f32 v6, v1;
	v4 =	vsub.f32 v4, v2;
	_ =	sdelay $0x1  }
0x121: {  	v6 =	vmul.f32 v6, v3;
	v3 =	vmul.f32 v4, v3;
	_ =	sdelay $0x1  }
0x122: {  	v1 =	vadd.f32 v6, v1;
	v2 =	vadd.f32 v3, v2;
	_ =	sdelay $0x1  }
0x123: {  	v2 =	vsub.f32 v2, v1;
	_ =	sdelay $0x1  }
0x124: {  	v2 =	vmul.f32 v2, v5;
	_ =	sdelay $0x1  }
0x125: {  	v1 =	vadd.f32 v2, v1;
	_ =	sdelay $0x1  }
0x126: {  	v1 =	vmax.f32 v1, $0.0e+00  }
0x127: {  	v1 =	vmin.f32 v1, $1.000000000e+00  }
0x128: {  	s21 =	sadd.s32 s3, s21;
	[tilespmem:s26+$0x1BE80] =	vst v1  }
0x129: {  	[hbm4b:s21+s5] =	stream.linear.scatter [tilespmem:s16], [sflag:$0x1], $0x4B0, $0x38;
	[tilespmem:$0x1C380] =	vst v63  }
0x12a: {  	_ =	swait.ge [sflag:s10], $0x4B0  }
0x12b: {  	[sflag:s10] =	ssyncset.done $0x0  }
0x12c: {  	s30 =	sadd.s32 s3, s22;
	[sflag:s10] =	ssyncadd.s32 $0xFFFFFB50  }
0x12d: {  	[hbm4b:s30+s5] =	stream.linear.scatter [tilespmem:s17], [sflag:$0x1], $0x4B0, $0x38;
	[tilespmem:$0x1C380] =	vst v63  }
0x12e: {  	s20 =	sadd.s32 $0x1, s20;
	_ =	swait.ge [sflag:s10], $0x4B0  }
0x12f: {  	p0 =	sne.s32 s20, $0xD8;
	[sflag:s10] =	ssyncset.done $0x0  }
.Ltmp1:
0x130: {  	s31 =	sadd.s32 s3, s23;
	[sflag:s10] =	ssyncadd.s32 $0xFFFFFB50;
	(pc) =	sbr.rel @p0 .LBB2_2-.Ltmp1, $4  }
0x131: {  	[hbm4b:s31+s5] =	stream.linear.scatter [tilespmem:s18], [sflag:$0x1], $0x4B0, $0x38;
	[tilespmem:$0x1C380] =	vst v63  }
0x132: {  	_ =	swait.ge [sflag:s10], $0x4B0  }
0x133: {  	[sflag:s10] =	ssyncset.done $0x0  }
0x134: {  	[sflag:s10] =	ssyncadd.s32 $0xFFFFFB50  }
0x135: {  	s19 =	sadd.s32 $0x1, s19  }
0x136: {  	p0 =	sne.s32 s19, s9  }
.Ltmp2:
0x137: {  	_ = 	snop;
	(pc) =	sbr.rel @p0 .LBB2_1-.Ltmp2, $1  }
0x138: {  	_ =	sdelay $0x3  }
0x139: {  	_ =	sfence.sel $0x180000  }
0x13a: {  	[bflag:$0x0] =	sbarrier.arrive $0xFFFF  }
0x13b: {  	p0 =	sne.s32 s4, $0x0;
	_ =	strace $0x90000047  }
0x13c: {  	s0 =	sadd.s32 @!p0 $0x100000, s0;
	[bflag:$0x2] =	sbarrier.arrive $0xFFFF  }
0x13d: {  	[sflag:s0] =	ssyncadd.tile.s32 @!p0 $0x1;
	_ =	shalt  }
.Lfunc_end2:
_tile_overlayer_lowered:
.L_overlay_start_2:
0x13e: {  	(tag) =	ssettag $0x2  }
0x13f: {  	s0 =	rddreg [dreg:$0x0];
	s2 =	stileid.u32  }
0x140: {  	s1 =	rddreg [dreg:$0x1];
	p0 =	sne.s32 s2, $0x0  }
0x141: {  	s3 =	rddreg [dreg:$0x2];
	[bflag:$0x3] =	sbarrier.arrive $0xFFFF;
	s2 =	simm.s32 @!p0 $0x1C01  }
0x142: {  	[timem:s3], [sflag:s2] =	dma.local @!p0 [hbm:s0], s1  }
0x143: {  	s0 =	simm.s32 @!p0 $0x1  }
0x144: {  	_ =	swait.ge @!p0 [sflag:s0], s1  }
0x145: {  	s1 =	ssub.s32 @!p0 $0x0, s1;
	[sflag:s0] =	ssyncset.done @!p0 $0x0  }
0x146: {  	[sflag:s0] =	ssyncadd.s32 @!p0 s1  }
0x147: {  	[bflag:$0x3] =	sbarrier.arrive $0xFFFF  }
0x148: {  	_ =	shalt  }

</sc_bundles>
